<compile_context>
chip_gen: v7x
topology: tpu7x:2x2x1
jax: 0.10.2.dev20260603
libtpu: 0.0.44.dev20260713+nightly
codegen_flags: <defaults>
</compile_context>

<pallas_src>
import functools

import jax
import jax.numpy as jnp
from jax import lax
from jax.experimental import pallas as pl
from jax.experimental.pallas import tpu as pltpu
from jax.experimental.pallas import tpu_sc as plsc


_INFO = plsc.get_sparse_core_info()
_NC = 1
_NS = _INFO.num_subcores
_NW = _NC * _NS


def _lane_bcast(vec, lane):
    idx = jnp.full((16, 1), lane, jnp.int32)
    dn = lax.GatherDimensionNumbers(
        offset_dims=(), collapsed_slice_dims=(0,), start_index_map=(0,)
    )
    return lax.gather(
        vec, idx, dn, slice_sizes=(1,),
        mode=lax.GatherScatterMode.PROMISE_IN_BOUNDS,
    )


def _pe_body(h, w, c, row_hbm, col_hbm, out_hbm, row_sh, col_sh, cols_v, buf_v, sem):
    rpw = 2 * c // _NW
    row_len = h * w

    s = lax.axis_index("s")
    cc = lax.axis_index("c")
    wid = s * _NC + cc
    is_col = wid < (_NW // 2)
    cbase = jnp.where(is_col, wid, wid - _NW // 2) * rpw

    @pl.when(s == 0)
    def _stage_col():
        pltpu.sync_copy(col_hbm, col_sh)

    @pl.when(s == 1)
    def _stage_row():
        pltpu.sync_copy(row_hbm, row_sh)

    plsc.subcore_barrier()

    @pl.when(is_col)
    def _col_fetch():
        for r in range(rpw):
            pltpu.async_copy(col_sh.at[:, cbase + r], cols_v.at[r], sem)

    @pl.when(jnp.logical_not(is_col))
    def _row_fetch():
        for r in range(rpw):
            pltpu.async_copy(row_sh.at[:, cbase + r], cols_v.at[r], sem)

    for r in range(rpw):
        pltpu.make_async_copy(col_sh.at[:, 0], cols_v.at[r], sem).wait()

    @pl.when(is_col)
    def _col_half():
        def per_row(r, _):
            a = cols_v[r, pl.ds(0, 16)]
            b = cols_v[r, pl.ds(16, 16)]

            def per_rep(m, _):
                base = r * row_len + m * 32
                buf_v[pl.ds(base, 16)] = a
                buf_v[pl.ds(base + 16, 16)] = b
                return 0

            return lax.fori_loop(0, row_len // 32, per_rep, 0, unroll=8)

        lax.fori_loop(0, rpw, per_row, 0)

    @pl.when(jnp.logical_not(is_col))
    def _row_half():
        def per_row(r, _):
            a = cols_v[r, pl.ds(0, 16)]
            b = cols_v[r, pl.ds(16, 16)]

            def per_val(j, _):
                vj = _lane_bcast(jnp.where(j < 16, a, b), j % 16)
                base = r * row_len + j * w
                buf_v[pl.ds(base, 16)] = vj
                buf_v[pl.ds(base + 16, 16)] = vj
                return 0

            return lax.fori_loop(0, h, per_val, 0, unroll=8)

        lax.fori_loop(0, rpw, per_row, 0)

    pltpu.sync_copy(buf_v, out_hbm.at[pl.ds(wid * rpw * row_len, rpw * row_len)])


def kernel(x, row_embed, col_embed):
    h, w = x.shape[-2], x.shape[-1]
    c = row_embed.shape[1]
    mesh = plsc.VectorSubcoreMesh(core_axis_name="c", subcore_axis_name="s", num_cores=1)
    pe = pl.kernel(
        functools.partial(_pe_body, h, w, c),
        out_type=jax.ShapeDtypeStruct((2 * c * h * w,), jnp.float32),
        mesh=mesh,
        scratch_types=[
            pltpu.VMEM_SHARED((h, c), jnp.float32),
            pltpu.VMEM_SHARED((w, c), jnp.float32),
            pltpu.VMEM((2 * c // _NW, h), jnp.float32),
            pltpu.VMEM((2 * c // _NW * h * w,), jnp.float32),
            pltpu.SemaphoreType.DMA,
        ],
    )
    out = pe(row_embed[:h], col_embed[:w])
    return out.reshape(2 * c, h, w)

# --- scband reference (transcript-rebuilt; emitter-appended) ---
"""Pipeline reference for scband-positional-encoding-learnable-57947698757808 (READ-ONLY COPY).

The authoritative reference and input builder live on the scoring server;
editing this copy changes nothing except your own understanding.
"""

import jax, jax.numpy as jnp
import numpy as np


def setup_inputs(seed: int = 0) -> dict:
    key = jax.random.key(seed)
    k1, k2, k3 = jax.random.split(key, 3)
    x = jax.random.normal(k1, (4, 256, 32, 32), dtype=jnp.float32)
    # learned parameters: nn.Embedding(50, n_dim//2) for rows and cols
    row_embed = jax.random.normal(k2, (50, 128), dtype=jnp.float32)
    col_embed = jax.random.normal(k3, (50, 128), dtype=jnp.float32)
    return {"x": x, "row_embed": row_embed, "col_embed": col_embed}


def reference(x, row_embed, col_embed):
    h, w = x.shape[-2], x.shape[-1]
    i = jnp.arange(w)
    j = jnp.arange(h)
    x_e = jnp.take(col_embed, i, axis=0)  # [w, c]
    y_e = jnp.take(row_embed, j, axis=0)  # [h, c]
    c = x_e.shape[1]
    # repeat 'w c -> c h w'
    x_e = jnp.broadcast_to(jnp.transpose(x_e)[:, None, :], (c, h, w))
    # repeat 'h c -> c h w'
    y_e = jnp.broadcast_to(jnp.transpose(y_e)[:, :, None], (c, h, w))
    pos = jnp.concatenate([x_e, y_e], axis=0)  # [2c, h, w] = [n_dim, h, w]
    return pos

if __name__ == "__main__":
    import jax
    _d = setup_inputs()
    print(jax.jit(kernel)(*tuple(_d.values())))

</pallas_src>

<mosaic_0001>
#map = affine_map<(d0, d1) -> (0, 0)>
#map1 = affine_map<(d0, d1) -> (0)>
module attributes {stable_mosaic.version = 14 : i64} {
  func.func @_pe_body(%arg0: i32, %arg1: i32, %arg2: memref<32x128xf32, #tpu.memory_space<hbm>>, %arg3: memref<32x128xf32, #tpu.memory_space<hbm>>, %arg4: memref<262144xf32, #tpu.memory_space<hbm>>, %arg5: memref<32x128xf32, #tpu.memory_space<vmem_shared>>, %arg6: memref<32x128xf32, #tpu.memory_space<vmem_shared>>, %arg7: memref<16x32xf32, #tpu.memory_space<vmem>>, %arg8: memref<16384xf32, #tpu.memory_space<vmem>>, %arg9: memref<!tpu.dma_semaphore, #tpu.memory_space<semaphore_mem>>) attributes {dimension_semantics = [#tpu.dimension_semantics<core_parallel>, #tpu.dimension_semantics<subcore_parallel>], iteration_bounds = array<i64: 1, 16>, scalar_prefetch = 0 : i64, scratch_operands = 5 : i64, tpu.core_type = #tpu.core_type<sc_vector_subcore>, window_params = [{transform_indices = #map}, {transform_indices = #map}, {transform_indices = #map1}]} {
    %mul3A = arith.constant 1 : i32
    %mul3A_0 = arith.muli %arg1, %mul3A : i32
    %add3A = arith.addi %mul3A_0, %arg0 : i32
    %lt3A = arith.constant 8 : i32
    %lt3A_1 = arith.cmpi slt, %add3A, %lt3A : i32
    %sub3A = arith.constant 8 : i32
    %sub3A_2 = arith.subi %add3A, %sub3A : i32
    %select_n3A = arith.select %lt3A_1, %add3A, %sub3A_2 : i32
    %mul3A_3 = arith.constant 16 : i32
    %mul3A_4 = arith.muli %select_n3A, %mul3A_3 : i32
    %eq3A = arith.constant 0 : i32
    %eq3A_5 = arith.cmpi eq, %arg1, %eq3A : i32
    %convert_element_type3A = arith.extui %eq3A_5 : i1 to i32
    %cond3A = arith.constant 0 : i32
    %cond3A_6 = arith.cmpi ne, %convert_element_type3A, %cond3A : i32
    scf.if %cond3A_6 {
      "tpu.region"() ({
        %run_scoped3A = tpu.sem_alloc : memref<!tpu.dma_semaphore, #tpu.memory_space<semaphore_mem>>
        tpu.enqueue_dma source(%arg3 : memref<32x128xf32, #tpu.memory_space<hbm>>) target(%arg6 : memref<32x128xf32, #tpu.memory_space<vmem_shared>>) target_semaphore(%run_scoped3A : memref<!tpu.dma_semaphore, #tpu.memory_space<semaphore_mem>>)
        tpu.wait_dma2 semaphore(%run_scoped3A : memref<!tpu.dma_semaphore, #tpu.memory_space<semaphore_mem>>) src(%arg3 : memref<32x128xf32, #tpu.memory_space<hbm>>) dst(%arg6 : memref<32x128xf32, #tpu.memory_space<vmem_shared>>)
        tpu.yield
      }) : () -> ()
    } else {
    }
    %eq3A_7 = arith.constant 1 : i32
    %eq3A_8 = arith.cmpi eq, %arg1, %eq3A_7 : i32
    %convert_element_type3A_9 = arith.extui %eq3A_8 : i1 to i32
    %cond3A_10 = arith.constant 0 : i32
    %cond3A_11 = arith.cmpi ne, %convert_element_type3A_9, %cond3A_10 : i32
    scf.if %cond3A_11 {
      "tpu.region"() ({
        %run_scoped3A = tpu.sem_alloc : memref<!tpu.dma_semaphore, #tpu.memory_space<semaphore_mem>>
        tpu.enqueue_dma source(%arg2 : memref<32x128xf32, #tpu.memory_space<hbm>>) target(%arg5 : memref<32x128xf32, #tpu.memory_space<vmem_shared>>) target_semaphore(%run_scoped3A : memref<!tpu.dma_semaphore, #tpu.memory_space<semaphore_mem>>)
        tpu.wait_dma2 semaphore(%run_scoped3A : memref<!tpu.dma_semaphore, #tpu.memory_space<semaphore_mem>>) src(%arg2 : memref<32x128xf32, #tpu.memory_space<hbm>>) dst(%arg5 : memref<32x128xf32, #tpu.memory_space<vmem_shared>>)
        tpu.yield
      }) : () -> ()
    } else {
    }
    %barrier3A = arith.constant 0 : index
    tpu.barrier barrier_id(%barrier3A)
    %convert_element_type3A_12 = arith.extui %lt3A_1 : i1 to i32
    %cond3A_13 = arith.constant 0 : i32
    %cond3A_14 = arith.cmpi ne, %convert_element_type3A_12, %cond3A_13 : i32
    scf.if %cond3A_14 {
      %add3A_254 = arith.constant 0 : i32
      %add3A_255 = arith.addi %mul3A_4, %add3A_254 : i32
      %dma_start3A = arith.constant 0 : i32
      %dma_start3A_256 = arith.constant 0 : i32
      %dma_start3A_257 = tpu.memref_slice %arg7[%dma_start3A, %dma_start3A_256] : memref<16x32xf32, #tpu.memory_space<vmem>> -> memref<1x32xf32, #tpu.memory_space<vmem>>
      %dma_start3A_258 = tpu.memref_squeeze %dma_start3A_257 : memref<1x32xf32, #tpu.memory_space<vmem>> -> memref<32xf32, #tpu.memory_space<vmem>>
      %dma_start3A_259 = arith.constant 0 : i32
      %dma_start3A_260 = tpu.memref_slice %arg6[%dma_start3A_259, %add3A_255] : memref<32x128xf32, #tpu.memory_space<vmem_shared>> -> memref<32x1xf32, #tpu.memory_space<vmem_shared>>
      %dma_start3A_261 = tpu.memref_squeeze %dma_start3A_260 : memref<32x1xf32, #tpu.memory_space<vmem_shared>> -> memref<32xf32, #tpu.memory_space<vmem_shared>>
      %dma_start3A_262 = arith.constant 0 : i32
      %dma_start3A_263 = tpu.memref_slice %arg7[%dma_start3A, %dma_start3A_262] : memref<16x32xf32, #tpu.memory_space<vmem>> -> memref<1x32xf32, #tpu.memory_space<vmem>>
      %dma_start3A_264 = tpu.memref_squeeze %dma_start3A_263 : memref<1x32xf32, #tpu.memory_space<vmem>> -> memref<32xf32, #tpu.memory_space<vmem>>
      %dma_start3A_265 = arith.constant 0 : i32
      %dma_start3A_266 = tpu.memref_slice %arg6[%dma_start3A_265, %add3A_255] : memref<32x128xf32, #tpu.memory_space<vmem_shared>> -> memref<32x1xf32, #tpu.memory_space<vmem_shared>>
      %dma_start3A_267 = tpu.memref_squeeze %dma_start3A_266 : memref<32x1xf32, #tpu.memory_space<vmem_shared>> -> memref<32xf32, #tpu.memory_space<vmem_shared>>
      tpu.enqueue_dma source(%dma_start3A_267 : memref<32xf32, #tpu.memory_space<vmem_shared>>) target(%dma_start3A_264 : memref<32xf32, #tpu.memory_space<vmem>>) target_semaphore(%arg9 : memref<!tpu.dma_semaphore, #tpu.memory_space<semaphore_mem>>)
      %add3A_268 = arith.constant 1 : i32
      %add3A_269 = arith.addi %mul3A_4, %add3A_268 : i32
      %dma_start3A_270 = arith.constant 1 : i32
      %dma_start3A_271 = arith.constant 0 : i32
      %dma_start3A_272 = tpu.memref_slice %arg7[%dma_start3A_270, %dma_start3A_271] : memref<16x32xf32, #tpu.memory_space<vmem>> -> memref<1x32xf32, #tpu.memory_space<vmem>>
      %dma_start3A_273 = tpu.memref_squeeze %dma_start3A_272 : memref<1x32xf32, #tpu.memory_space<vmem>> -> memref<32xf32, #tpu.memory_space<vmem>>
      %dma_start3A_274 = arith.constant 0 : i32
      %dma_start3A_275 = tpu.memref_slice %arg6[%dma_start3A_274, %add3A_269] : memref<32x128xf32, #tpu.memory_space<vmem_shared>> -> memref<32x1xf32, #tpu.memory_space<vmem_shared>>
      %dma_start3A_276 = tpu.memref_squeeze %dma_start3A_275 : memref<32x1xf32, #tpu.memory_space<vmem_shared>> -> memref<32xf32, #tpu.memory_space<vmem_shared>>
      %dma_start3A_277 = arith.constant 0 : i32
      %dma_start3A_278 = tpu.memref_slice %arg7[%dma_start3A_270, %dma_start3A_277] : memref<16x32xf32, #tpu.memory_space<vmem>> -> memref<1x32xf32, #tpu.memory_space<vmem>>
      %dma_start3A_279 = tpu.memref_squeeze %dma_start3A_278 : memref<1x32xf32, #tpu.memory_space<vmem>> -> memref<32xf32, #tpu.memory_space<vmem>>
      %dma_start3A_280 = arith.constant 0 : i32
      %dma_start3A_281 = tpu.memref_slice %arg6[%dma_start3A_280, %add3A_269] : memref<32x128xf32, #tpu.memory_space<vmem_shared>> -> memref<32x1xf32, #tpu.memory_space<vmem_shared>>
      %dma_start3A_282 = tpu.memref_squeeze %dma_start3A_281 : memref<32x1xf32, #tpu.memory_space<vmem_shared>> -> memref<32xf32, #tpu.memory_space<vmem_shared>>
      tpu.enqueue_dma source(%dma_start3A_282 : memref<32xf32, #tpu.memory_space<vmem_shared>>) target(%dma_start3A_279 : memref<32xf32, #tpu.memory_space<vmem>>) target_semaphore(%arg9 : memref<!tpu.dma_semaphore, #tpu.memory_space<semaphore_mem>>)
      %add3A_283 = arith.constant 2 : i32
      %add3A_284 = arith.addi %mul3A_4, %add3A_283 : i32
      %dma_start3A_285 = arith.constant 2 : i32
      %dma_start3A_286 = arith.constant 0 : i32
      %dma_start3A_287 = tpu.memref_slice %arg7[%dma_start3A_285, %dma_start3A_286] : memref<16x32xf32, #tpu.memory_space<vmem>> -> memref<1x32xf32, #tpu.memory_space<vmem>>
      %dma_start3A_288 = tpu.memref_squeeze %dma_start3A_287 : memref<1x32xf32, #tpu.memory_space<vmem>> -> memref<32xf32, #tpu.memory_space<vmem>>
      %dma_start3A_289 = arith.constant 0 : i32
      %dma_start3A_290 = tpu.memref_slice %arg6[%dma_start3A_289, %add3A_284] : memref<32x128xf32, #tpu.memory_space<vmem_shared>> -> memref<32x1xf32, #tpu.memory_space<vmem_shared>>
      %dma_start3A_291 = tpu.memref_squeeze %dma_start3A_290 : memref<32x1xf32, #tpu.memory_space<vmem_shared>> -> memref<32xf32, #tpu.memory_space<vmem_shared>>
      %dma_start3A_292 = arith.constant 0 : i32
      %dma_start3A_293 = tpu.memref_slice %arg7[%dma_start3A_285, %dma_start3A_292] : memref<16x32xf32, #tpu.memory_space<vmem>> -> memref<1x32xf32, #tpu.memory_space<vmem>>
      %dma_start3A_294 = tpu.memref_squeeze %dma_start3A_293 : memref<1x32xf32, #tpu.memory_space<vmem>> -> memref<32xf32, #tpu.memory_space<vmem>>
      %dma_start3A_295 = arith.constant 0 : i32
      %dma_start3A_296 = tpu.memref_slice %arg6[%dma_start3A_295, %add3A_284] : memref<32x128xf32, #tpu.memory_space<vmem_shared>> -> memref<32x1xf32, #tpu.memory_space<vmem_shared>>
      %dma_start3A_297 = tpu.memref_squeeze %dma_start3A_296 : memref<32x1xf32, #tpu.memory_space<vmem_shared>> -> memref<32xf32, #tpu.memory_space<vmem_shared>>
      tpu.enqueue_dma source(%dma_start3A_297 : memref<32xf32, #tpu.memory_space<vmem_shared>>) target(%dma_start3A_294 : memref<32xf32, #tpu.memory_space<vmem>>) target_semaphore(%arg9 : memref<!tpu.dma_semaphore, #tpu.memory_space<semaphore_mem>>)
      %add3A_298 = arith.constant 3 : i32
      %add3A_299 = arith.addi %mul3A_4, %add3A_298 : i32
      %dma_start3A_300 = arith.constant 3 : i32
      %dma_start3A_301 = arith.constant 0 : i32
      %dma_start3A_302 = tpu.memref_slice %arg7[%dma_start3A_300, %dma_start3A_301] : memref<16x32xf32, #tpu.memory_space<vmem>> -> memref<1x32xf32, #tpu.memory_space<vmem>>
      %dma_start3A_303 = tpu.memref_squeeze %dma_start3A_302 : memref<1x32xf32, #tpu.memory_space<vmem>> -> memref<32xf32, #tpu.memory_space<vmem>>
      %dma_start3A_304 = arith.constant 0 : i32
      %dma_start3A_305 = tpu.memref_slice %arg6[%dma_start3A_304, %add3A_299] : memref<32x128xf32, #tpu.memory_space<vmem_shared>> -> memref<32x1xf32, #tpu.memory_space<vmem_shared>>
      %dma_start3A_306 = tpu.memref_squeeze %dma_start3A_305 : memref<32x1xf32, #tpu.memory_space<vmem_shared>> -> memref<32xf32, #tpu.memory_space<vmem_shared>>
      %dma_start3A_307 = arith.constant 0 : i32
      %dma_start3A_308 = tpu.memref_slice %arg7[%dma_start3A_300, %dma_start3A_307] : memref<16x32xf32, #tpu.memory_space<vmem>> -> memref<1x32xf32, #tpu.memory_space<vmem>>
      %dma_start3A_309 = tpu.memref_squeeze %dma_start3A_308 : memref<1x32xf32, #tpu.memory_space<vmem>> -> memref<32xf32, #tpu.memory_space<vmem>>
      %dma_start3A_310 = arith.constant 0 : i32
      %dma_start3A_311 = tpu.memref_slice %arg6[%dma_start3A_310, %add3A_299] : memref<32x128xf32, #tpu.memory_space<vmem_shared>> -> memref<32x1xf32, #tpu.memory_space<vmem_shared>>
      %dma_start3A_312 = tpu.memref_squeeze %dma_start3A_311 : memref<32x1xf32, #tpu.memory_space<vmem_shared>> -> memref<32xf32, #tpu.memory_space<vmem_shared>>
      tpu.enqueue_dma source(%dma_start3A_312 : memref<32xf32, #tpu.memory_space<vmem_shared>>) target(%dma_start3A_309 : memref<32xf32, #tpu.memory_space<vmem>>) target_semaphore(%arg9 : memref<!tpu.dma_semaphore, #tpu.memory_space<semaphore_mem>>)
      %add3A_313 = arith.constant 4 : i32
      %add3A_314 = arith.addi %mul3A_4, %add3A_313 : i32
      %dma_start3A_315 = arith.constant 4 : i32
      %dma_start3A_316 = arith.constant 0 : i32
      %dma_start3A_317 = tpu.memref_slice %arg7[%dma_start3A_315, %dma_start3A_316] : memref<16x32xf32, #tpu.memory_space<vmem>> -> memref<1x32xf32, #tpu.memory_space<vmem>>
      %dma_start3A_318 = tpu.memref_squeeze %dma_start3A_317 : memref<1x32xf32, #tpu.memory_space<vmem>> -> memref<32xf32, #tpu.memory_space<vmem>>
      %dma_start3A_319 = arith.constant 0 : i32
      %dma_start3A_320 = tpu.memref_slice %arg6[%dma_start3A_319, %add3A_314] : memref<32x128xf32, #tpu.memory_space<vmem_shared>> -> memref<32x1xf32, #tpu.memory_space<vmem_shared>>
      %dma_start3A_321 = tpu.memref_squeeze %dma_start3A_320 : memref<32x1xf32, #tpu.memory_space<vmem_shared>> -> memref<32xf32, #tpu.memory_space<vmem_shared>>
      %dma_start3A_322 = arith.constant 0 : i32
      %dma_start3A_323 = tpu.memref_slice %arg7[%dma_start3A_315, %dma_start3A_322] : memref<16x32xf32, #tpu.memory_space<vmem>> -> memref<1x32xf32, #tpu.memory_space<vmem>>
      %dma_start3A_324 = tpu.memref_squeeze %dma_start3A_323 : memref<1x32xf32, #tpu.memory_space<vmem>> -> memref<32xf32, #tpu.memory_space<vmem>>
      %dma_start3A_325 = arith.constant 0 : i32
      %dma_start3A_326 = tpu.memref_slice %arg6[%dma_start3A_325, %add3A_314] : memref<32x128xf32, #tpu.memory_space<vmem_shared>> -> memref<32x1xf32, #tpu.memory_space<vmem_shared>>
      %dma_start3A_327 = tpu.memref_squeeze %dma_start3A_326 : memref<32x1xf32, #tpu.memory_space<vmem_shared>> -> memref<32xf32, #tpu.memory_space<vmem_shared>>
      tpu.enqueue_dma source(%dma_start3A_327 : memref<32xf32, #tpu.memory_space<vmem_shared>>) target(%dma_start3A_324 : memref<32xf32, #tpu.memory_space<vmem>>) target_semaphore(%arg9 : memref<!tpu.dma_semaphore, #tpu.memory_space<semaphore_mem>>)
      %add3A_328 = arith.constant 5 : i32
      %add3A_329 = arith.addi %mul3A_4, %add3A_328 : i32
      %dma_start3A_330 = arith.constant 5 : i32
      %dma_start3A_331 = arith.constant 0 : i32
      %dma_start3A_332 = tpu.memref_slice %arg7[%dma_start3A_330, %dma_start3A_331] : memref<16x32xf32, #tpu.memory_space<vmem>> -> memref<1x32xf32, #tpu.memory_space<vmem>>
      %dma_start3A_333 = tpu.memref_squeeze %dma_start3A_332 : memref<1x32xf32, #tpu.memory_space<vmem>> -> memref<32xf32, #tpu.memory_space<vmem>>
      %dma_start3A_334 = arith.constant 0 : i32
      %dma_start3A_335 = tpu.memref_slice %arg6[%dma_start3A_334, %add3A_329] : memref<32x128xf32, #tpu.memory_space<vmem_shared>> -> memref<32x1xf32, #tpu.memory_space<vmem_shared>>
      %dma_start3A_336 = tpu.memref_squeeze %dma_start3A_335 : memref<32x1xf32, #tpu.memory_space<vmem_shared>> -> memref<32xf32, #tpu.memory_space<vmem_shared>>
      %dma_start3A_337 = arith.constant 0 : i32
      %dma_start3A_338 = tpu.memref_slice %arg7[%dma_start3A_330, %dma_start3A_337] : memref<16x32xf32, #tpu.memory_space<vmem>> -> memref<1x32xf32, #tpu.memory_space<vmem>>
      %dma_start3A_339 = tpu.memref_squeeze %dma_start3A_338 : memref<1x32xf32, #tpu.memory_space<vmem>> -> memref<32xf32, #tpu.memory_space<vmem>>
      %dma_start3A_340 = arith.constant 0 : i32
      %dma_start3A_341 = tpu.memref_slice %arg6[%dma_start3A_340, %add3A_329] : memref<32x128xf32, #tpu.memory_space<vmem_shared>> -> memref<32x1xf32, #tpu.memory_space<vmem_shared>>
      %dma_start3A_342 = tpu.memref_squeeze %dma_start3A_341 : memref<32x1xf32, #tpu.memory_space<vmem_shared>> -> memref<32xf32, #tpu.memory_space<vmem_shared>>
      tpu.enqueue_dma source(%dma_start3A_342 : memref<32xf32, #tpu.memory_space<vmem_shared>>) target(%dma_start3A_339 : memref<32xf32, #tpu.memory_space<vmem>>) target_semaphore(%arg9 : memref<!tpu.dma_semaphore, #tpu.memory_space<semaphore_mem>>)
      %add3A_343 = arith.constant 6 : i32
      %add3A_344 = arith.addi %mul3A_4, %add3A_343 : i32
      %dma_start3A_345 = arith.constant 6 : i32
      %dma_start3A_346 = arith.constant 0 : i32
      %dma_start3A_347 = tpu.memref_slice %arg7[%dma_start3A_345, %dma_start3A_346] : memref<16x32xf32, #tpu.memory_space<vmem>> -> memref<1x32xf32, #tpu.memory_space<vmem>>
      %dma_start3A_348 = tpu.memref_squeeze %dma_start3A_347 : memref<1x32xf32, #tpu.memory_space<vmem>> -> memref<32xf32, #tpu.memory_space<vmem>>
      %dma_start3A_349 = arith.constant 0 : i32
      %dma_start3A_350 = tpu.memref_slice %arg6[%dma_start3A_349, %add3A_344] : memref<32x128xf32, #tpu.memory_space<vmem_shared>> -> memref<32x1xf32, #tpu.memory_space<vmem_shared>>
      %dma_start3A_351 = tpu.memref_squeeze %dma_start3A_350 : memref<32x1xf32, #tpu.memory_space<vmem_shared>> -> memref<32xf32, #tpu.memory_space<vmem_shared>>
      %dma_start3A_352 = arith.constant 0 : i32
      %dma_start3A_353 = tpu.memref_slice %arg7[%dma_start3A_345, %dma_start3A_352] : memref<16x32xf32, #tpu.memory_space<vmem>> -> memref<1x32xf32, #tpu.memory_space<vmem>>
      %dma_start3A_354 = tpu.memref_squeeze %dma_start3A_353 : memref<1x32xf32, #tpu.memory_space<vmem>> -> memref<32xf32, #tpu.memory_space<vmem>>
      %dma_start3A_355 = arith.constant 0 : i32
      %dma_start3A_356 = tpu.memref_slice %arg6[%dma_start3A_355, %add3A_344] : memref<32x128xf32, #tpu.memory_space<vmem_shared>> -> memref<32x1xf32, #tpu.memory_space<vmem_shared>>
      %dma_start3A_357 = tpu.memref_squeeze %dma_start3A_356 : memref<32x1xf32, #tpu.memory_space<vmem_shared>> -> memref<32xf32, #tpu.memory_space<vmem_shared>>
      tpu.enqueue_dma source(%dma_start3A_357 : memref<32xf32, #tpu.memory_space<vmem_shared>>) target(%dma_start3A_354 : memref<32xf32, #tpu.memory_space<vmem>>) target_semaphore(%arg9 : memref<!tpu.dma_semaphore, #tpu.memory_space<semaphore_mem>>)
      %add3A_358 = arith.constant 7 : i32
      %add3A_359 = arith.addi %mul3A_4, %add3A_358 : i32
      %dma_start3A_360 = arith.constant 7 : i32
      %dma_start3A_361 = arith.constant 0 : i32
      %dma_start3A_362 = tpu.memref_slice %arg7[%dma_start3A_360, %dma_start3A_361] : memref<16x32xf32, #tpu.memory_space<vmem>> -> memref<1x32xf32, #tpu.memory_space<vmem>>
      %dma_start3A_363 = tpu.memref_squeeze %dma_start3A_362 : memref<1x32xf32, #tpu.memory_space<vmem>> -> memref<32xf32, #tpu.memory_space<vmem>>
      %dma_start3A_364 = arith.constant 0 : i32
      %dma_start3A_365 = tpu.memref_slice %arg6[%dma_start3A_364, %add3A_359] : memref<32x128xf32, #tpu.memory_space<vmem_shared>> -> memref<32x1xf32, #tpu.memory_space<vmem_shared>>
      %dma_start3A_366 = tpu.memref_squeeze %dma_start3A_365 : memref<32x1xf32, #tpu.memory_space<vmem_shared>> -> memref<32xf32, #tpu.memory_space<vmem_shared>>
      %dma_start3A_367 = arith.constant 0 : i32
      %dma_start3A_368 = tpu.memref_slice %arg7[%dma_start3A_360, %dma_start3A_367] : memref<16x32xf32, #tpu.memory_space<vmem>> -> memref<1x32xf32, #tpu.memory_space<vmem>>
      %dma_start3A_369 = tpu.memref_squeeze %dma_start3A_368 : memref<1x32xf32, #tpu.memory_space<vmem>> -> memref<32xf32, #tpu.memory_space<vmem>>
      %dma_start3A_370 = arith.constant 0 : i32
      %dma_start3A_371 = tpu.memref_slice %arg6[%dma_start3A_370, %add3A_359] : memref<32x128xf32, #tpu.memory_space<vmem_shared>> -> memref<32x1xf32, #tpu.memory_space<vmem_shared>>
      %dma_start3A_372 = tpu.memref_squeeze %dma_start3A_371 : memref<32x1xf32, #tpu.memory_space<vmem_shared>> -> memref<32xf32, #tpu.memory_space<vmem_shared>>
      tpu.enqueue_dma source(%dma_start3A_372 : memref<32xf32, #tpu.memory_space<vmem_shared>>) target(%dma_start3A_369 : memref<32xf32, #tpu.memory_space<vmem>>) target_semaphore(%arg9 : memref<!tpu.dma_semaphore, #tpu.memory_space<semaphore_mem>>)
      %add3A_373 = arith.constant 8 : i32
      %add3A_374 = arith.addi %mul3A_4, %add3A_373 : i32
      %dma_start3A_375 = arith.constant 8 : i32
      %dma_start3A_376 = arith.constant 0 : i32
      %dma_start3A_377 = tpu.memref_slice %arg7[%dma_start3A_375, %dma_start3A_376] : memref<16x32xf32, #tpu.memory_space<vmem>> -> memref<1x32xf32, #tpu.memory_space<vmem>>
      %dma_start3A_378 = tpu.memref_squeeze %dma_start3A_377 : memref<1x32xf32, #tpu.memory_space<vmem>> -> memref<32xf32, #tpu.memory_space<vmem>>
      %dma_start3A_379 = arith.constant 0 : i32
      %dma_start3A_380 = tpu.memref_slice %arg6[%dma_start3A_379, %add3A_374] : memref<32x128xf32, #tpu.memory_space<vmem_shared>> -> memref<32x1xf32, #tpu.memory_space<vmem_shared>>
      %dma_start3A_381 = tpu.memref_squeeze %dma_start3A_380 : memref<32x1xf32, #tpu.memory_space<vmem_shared>> -> memref<32xf32, #tpu.memory_space<vmem_shared>>
      %dma_start3A_382 = arith.constant 0 : i32
      %dma_start3A_383 = tpu.memref_slice %arg7[%dma_start3A_375, %dma_start3A_382] : memref<16x32xf32, #tpu.memory_space<vmem>> -> memref<1x32xf32, #tpu.memory_space<vmem>>
      %dma_start3A_384 = tpu.memref_squeeze %dma_start3A_383 : memref<1x32xf32, #tpu.memory_space<vmem>> -> memref<32xf32, #tpu.memory_space<vmem>>
      %dma_start3A_385 = arith.constant 0 : i32
      %dma_start3A_386 = tpu.memref_slice %arg6[%dma_start3A_385, %add3A_374] : memref<32x128xf32, #tpu.memory_space<vmem_shared>> -> memref<32x1xf32, #tpu.memory_space<vmem_shared>>
      %dma_start3A_387 = tpu.memref_squeeze %dma_start3A_386 : memref<32x1xf32, #tpu.memory_space<vmem_shared>> -> memref<32xf32, #tpu.memory_space<vmem_shared>>
      tpu.enqueue_dma source(%dma_start3A_387 : memref<32xf32, #tpu.memory_space<vmem_shared>>) target(%dma_start3A_384 : memref<32xf32, #tpu.memory_space<vmem>>) target_semaphore(%arg9 : memref<!tpu.dma_semaphore, #tpu.memory_space<semaphore_mem>>)
      %add3A_388 = arith.constant 9 : i32
      %add3A_389 = arith.addi %mul3A_4, %add3A_388 : i32
      %dma_start3A_390 = arith.constant 9 : i32
      %dma_start3A_391 = arith.constant 0 : i32
      %dma_start3A_392 = tpu.memref_slice %arg7[%dma_start3A_390, %dma_start3A_391] : memref<16x32xf32, #tpu.memory_space<vmem>> -> memref<1x32xf32, #tpu.memory_space<vmem>>
      %dma_start3A_393 = tpu.memref_squeeze %dma_start3A_392 : memref<1x32xf32, #tpu.memory_space<vmem>> -> memref<32xf32, #tpu.memory_space<vmem>>
      %dma_start3A_394 = arith.constant 0 : i32
      %dma_start3A_395 = tpu.memref_slice %arg6[%dma_start3A_394, %add3A_389] : memref<32x128xf32, #tpu.memory_space<vmem_shared>> -> memref<32x1xf32, #tpu.memory_space<vmem_shared>>
      %dma_start3A_396 = tpu.memref_squeeze %dma_start3A_395 : memref<32x1xf32, #tpu.memory_space<vmem_shared>> -> memref<32xf32, #tpu.memory_space<vmem_shared>>
      %dma_start3A_397 = arith.constant 0 : i32
      %dma_start3A_398 = tpu.memref_slice %arg7[%dma_start3A_390, %dma_start3A_397] : memref<16x32xf32, #tpu.memory_space<vmem>> -> memref<1x32xf32, #tpu.memory_space<vmem>>
      %dma_start3A_399 = tpu.memref_squeeze %dma_start3A_398 : memref<1x32xf32, #tpu.memory_space<vmem>> -> memref<32xf32, #tpu.memory_space<vmem>>
      %dma_start3A_400 = arith.constant 0 : i32
      %dma_start3A_401 = tpu.memref_slice %arg6[%dma_start3A_400, %add3A_389] : memref<32x128xf32, #tpu.memory_space<vmem_shared>> -> memref<32x1xf32, #tpu.memory_space<vmem_shared>>
      %dma_start3A_402 = tpu.memref_squeeze %dma_start3A_401 : memref<32x1xf32, #tpu.memory_space<vmem_shared>> -> memref<32xf32, #tpu.memory_space<vmem_shared>>
      tpu.enqueue_dma source(%dma_start3A_402 : memref<32xf32, #tpu.memory_space<vmem_shared>>) target(%dma_start3A_399 : memref<32xf32, #tpu.memory_space<vmem>>) target_semaphore(%arg9 : memref<!tpu.dma_semaphore, #tpu.memory_space<semaphore_mem>>)
      %add3A_403 = arith.constant 10 : i32
      %add3A_404 = arith.addi %mul3A_4, %add3A_403 : i32
      %dma_start3A_405 = arith.constant 10 : i32
      %dma_start3A_406 = arith.constant 0 : i32
      %dma_start3A_407 = tpu.memref_slice %arg7[%dma_start3A_405, %dma_start3A_406] : memref<16x32xf32, #tpu.memory_space<vmem>> -> memref<1x32xf32, #tpu.memory_space<vmem>>
      %dma_start3A_408 = tpu.memref_squeeze %dma_start3A_407 : memref<1x32xf32, #tpu.memory_space<vmem>> -> memref<32xf32, #tpu.memory_space<vmem>>
      %dma_start3A_409 = arith.constant 0 : i32
      %dma_start3A_410 = tpu.memref_slice %arg6[%dma_start3A_409, %add3A_404] : memref<32x128xf32, #tpu.memory_space<vmem_shared>> -> memref<32x1xf32, #tpu.memory_space<vmem_shared>>
      %dma_start3A_411 = tpu.memref_squeeze %dma_start3A_410 : memref<32x1xf32, #tpu.memory_space<vmem_shared>> -> memref<32xf32, #tpu.memory_space<vmem_shared>>
      %dma_start3A_412 = arith.constant 0 : i32
      %dma_start3A_413 = tpu.memref_slice %arg7[%dma_start3A_405, %dma_start3A_412] : memref<16x32xf32, #tpu.memory_space<vmem>> -> memref<1x32xf32, #tpu.memory_space<vmem>>
      %dma_start3A_414 = tpu.memref_squeeze %dma_start3A_413 : memref<1x32xf32, #tpu.memory_space<vmem>> -> memref<32xf32, #tpu.memory_space<vmem>>
      %dma_start3A_415 = arith.constant 0 : i32
      %dma_start3A_416 = tpu.memref_slice %arg6[%dma_start3A_415, %add3A_404] : memref<32x128xf32, #tpu.memory_space<vmem_shared>> -> memref<32x1xf32, #tpu.memory_space<vmem_shared>>
      %dma_start3A_417 = tpu.memref_squeeze %dma_start3A_416 : memref<32x1xf32, #tpu.memory_space<vmem_shared>> -> memref<32xf32, #tpu.memory_space<vmem_shared>>
      tpu.enqueue_dma source(%dma_start3A_417 : memref<32xf32, #tpu.memory_space<vmem_shared>>) target(%dma_start3A_414 : memref<32xf32, #tpu.memory_space<vmem>>) target_semaphore(%arg9 : memref<!tpu.dma_semaphore, #tpu.memory_space<semaphore_mem>>)
      %add3A_418 = arith.constant 11 : i32
      %add3A_419 = arith.addi %mul3A_4, %add3A_418 : i32
      %dma_start3A_420 = arith.constant 11 : i32
      %dma_start3A_421 = arith.constant 0 : i32
      %dma_start3A_422 = tpu.memref_slice %arg7[%dma_start3A_420, %dma_start3A_421] : memref<16x32xf32, #tpu.memory_space<vmem>> -> memref<1x32xf32, #tpu.memory_space<vmem>>
      %dma_start3A_423 = tpu.memref_squeeze %dma_start3A_422 : memref<1x32xf32, #tpu.memory_space<vmem>> -> memref<32xf32, #tpu.memory_space<vmem>>
      %dma_start3A_424 = arith.constant 0 : i32
      %dma_start3A_425 = tpu.memref_slice %arg6[%dma_start3A_424, %add3A_419] : memref<32x128xf32, #tpu.memory_space<vmem_shared>> -> memref<32x1xf32, #tpu.memory_space<vmem_shared>>
      %dma_start3A_426 = tpu.memref_squeeze %dma_start3A_425 : memref<32x1xf32, #tpu.memory_space<vmem_shared>> -> memref<32xf32, #tpu.memory_space<vmem_shared>>
      %dma_start3A_427 = arith.constant 0 : i32
      %dma_start3A_428 = tpu.memref_slice %arg7[%dma_start3A_420, %dma_start3A_427] : memref<16x32xf32, #tpu.memory_space<vmem>> -> memref<1x32xf32, #tpu.memory_space<vmem>>
      %dma_start3A_429 = tpu.memref_squeeze %dma_start3A_428 : memref<1x32xf32, #tpu.memory_space<vmem>> -> memref<32xf32, #tpu.memory_space<vmem>>
      %dma_start3A_430 = arith.constant 0 : i32
      %dma_start3A_431 = tpu.memref_slice %arg6[%dma_start3A_430, %add3A_419] : memref<32x128xf32, #tpu.memory_space<vmem_shared>> -> memref<32x1xf32, #tpu.memory_space<vmem_shared>>
      %dma_start3A_432 = tpu.memref_squeeze %dma_start3A_431 : memref<32x1xf32, #tpu.memory_space<vmem_shared>> -> memref<32xf32, #tpu.memory_space<vmem_shared>>
      tpu.enqueue_dma source(%dma_start3A_432 : memref<32xf32, #tpu.memory_space<vmem_shared>>) target(%dma_start3A_429 : memref<32xf32, #tpu.memory_space<vmem>>) target_semaphore(%arg9 : memref<!tpu.dma_semaphore, #tpu.memory_space<semaphore_mem>>)
      %add3A_433 = arith.constant 12 : i32
      %add3A_434 = arith.addi %mul3A_4, %add3A_433 : i32
      %dma_start3A_435 = arith.constant 12 : i32
      %dma_start3A_436 = arith.constant 0 : i32
      %dma_start3A_437 = tpu.memref_slice %arg7[%dma_start3A_435, %dma_start3A_436] : memref<16x32xf32, #tpu.memory_space<vmem>> -> memref<1x32xf32, #tpu.memory_space<vmem>>
      %dma_start3A_438 = tpu.memref_squeeze %dma_start3A_437 : memref<1x32xf32, #tpu.memory_space<vmem>> -> memref<32xf32, #tpu.memory_space<vmem>>
      %dma_start3A_439 = arith.constant 0 : i32
      %dma_start3A_440 = tpu.memref_slice %arg6[%dma_start3A_439, %add3A_434] : memref<32x128xf32, #tpu.memory_space<vmem_shared>> -> memref<32x1xf32, #tpu.memory_space<vmem_shared>>
      %dma_start3A_441 = tpu.memref_squeeze %dma_start3A_440 : memref<32x1xf32, #tpu.memory_space<vmem_shared>> -> memref<32xf32, #tpu.memory_space<vmem_shared>>
      %dma_start3A_442 = arith.constant 0 : i32
      %dma_start3A_443 = tpu.memref_slice %arg7[%dma_start3A_435, %dma_start3A_442] : memref<16x32xf32, #tpu.memory_space<vmem>> -> memref<1x32xf32, #tpu.memory_space<vmem>>
      %dma_start3A_444 = tpu.memref_squeeze %dma_start3A_443 : memref<1x32xf32, #tpu.memory_space<vmem>> -> memref<32xf32, #tpu.memory_space<vmem>>
      %dma_start3A_445 = arith.constant 0 : i32
      %dma_start3A_446 = tpu.memref_slice %arg6[%dma_start3A_445, %add3A_434] : memref<32x128xf32, #tpu.memory_space<vmem_shared>> -> memref<32x1xf32, #tpu.memory_space<vmem_shared>>
      %dma_start3A_447 = tpu.memref_squeeze %dma_start3A_446 : memref<32x1xf32, #tpu.memory_space<vmem_shared>> -> memref<32xf32, #tpu.memory_space<vmem_shared>>
      tpu.enqueue_dma source(%dma_start3A_447 : memref<32xf32, #tpu.memory_space<vmem_shared>>) target(%dma_start3A_444 : memref<32xf32, #tpu.memory_space<vmem>>) target_semaphore(%arg9 : memref<!tpu.dma_semaphore, #tpu.memory_space<semaphore_mem>>)
      %add3A_448 = arith.constant 13 : i32
      %add3A_449 = arith.addi %mul3A_4, %add3A_448 : i32
      %dma_start3A_450 = arith.constant 13 : i32
      %dma_start3A_451 = arith.constant 0 : i32
      %dma_start3A_452 = tpu.memref_slice %arg7[%dma_start3A_450, %dma_start3A_451] : memref<16x32xf32, #tpu.memory_space<vmem>> -> memref<1x32xf32, #tpu.memory_space<vmem>>
      %dma_start3A_453 = tpu.memref_squeeze %dma_start3A_452 : memref<1x32xf32, #tpu.memory_space<vmem>> -> memref<32xf32, #tpu.memory_space<vmem>>
      %dma_start3A_454 = arith.constant 0 : i32
      %dma_start3A_455 = tpu.memref_slice %arg6[%dma_start3A_454, %add3A_449] : memref<32x128xf32, #tpu.memory_space<vmem_shared>> -> memref<32x1xf32, #tpu.memory_space<vmem_shared>>
      %dma_start3A_456 = tpu.memref_squeeze %dma_start3A_455 : memref<32x1xf32, #tpu.memory_space<vmem_shared>> -> memref<32xf32, #tpu.memory_space<vmem_shared>>
      %dma_start3A_457 = arith.constant 0 : i32
      %dma_start3A_458 = tpu.memref_slice %arg7[%dma_start3A_450, %dma_start3A_457] : memref<16x32xf32, #tpu.memory_space<vmem>> -> memref<1x32xf32, #tpu.memory_space<vmem>>
      %dma_start3A_459 = tpu.memref_squeeze %dma_start3A_458 : memref<1x32xf32, #tpu.memory_space<vmem>> -> memref<32xf32, #tpu.memory_space<vmem>>
      %dma_start3A_460 = arith.constant 0 : i32
      %dma_start3A_461 = tpu.memref_slice %arg6[%dma_start3A_460, %add3A_449] : memref<32x128xf32, #tpu.memory_space<vmem_shared>> -> memref<32x1xf32, #tpu.memory_space<vmem_shared>>
      %dma_start3A_462 = tpu.memref_squeeze %dma_start3A_461 : memref<32x1xf32, #tpu.memory_space<vmem_shared>> -> memref<32xf32, #tpu.memory_space<vmem_shared>>
      tpu.enqueue_dma source(%dma_start3A_462 : memref<32xf32, #tpu.memory_space<vmem_shared>>) target(%dma_start3A_459 : memref<32xf32, #tpu.memory_space<vmem>>) target_semaphore(%arg9 : memref<!tpu.dma_semaphore, #tpu.memory_space<semaphore_mem>>)
      %add3A_463 = arith.constant 14 : i32
      %add3A_464 = arith.addi %mul3A_4, %add3A_463 : i32
      %dma_start3A_465 = arith.constant 14 : i32
      %dma_start3A_466 = arith.constant 0 : i32
      %dma_start3A_467 = tpu.memref_slice %arg7[%dma_start3A_465, %dma_start3A_466] : memref<16x32xf32, #tpu.memory_space<vmem>> -> memref<1x32xf32, #tpu.memory_space<vmem>>
      %dma_start3A_468 = tpu.memref_squeeze %dma_start3A_467 : memref<1x32xf32, #tpu.memory_space<vmem>> -> memref<32xf32, #tpu.memory_space<vmem>>
      %dma_start3A_469 = arith.constant 0 : i32
      %dma_start3A_470 = tpu.memref_slice %arg6[%dma_start3A_469, %add3A_464] : memref<32x128xf32, #tpu.memory_space<vmem_shared>> -> memref<32x1xf32, #tpu.memory_space<vmem_shared>>
      %dma_start3A_471 = tpu.memref_squeeze %dma_start3A_470 : memref<32x1xf32, #tpu.memory_space<vmem_shared>> -> memref<32xf32, #tpu.memory_space<vmem_shared>>
      %dma_start3A_472 = arith.constant 0 : i32
      %dma_start3A_473 = tpu.memref_slice %arg7[%dma_start3A_465, %dma_start3A_472] : memref<16x32xf32, #tpu.memory_space<vmem>> -> memref<1x32xf32, #tpu.memory_space<vmem>>
      %dma_start3A_474 = tpu.memref_squeeze %dma_start3A_473 : memref<1x32xf32, #tpu.memory_space<vmem>> -> memref<32xf32, #tpu.memory_space<vmem>>
      %dma_start3A_475 = arith.constant 0 : i32
      %dma_start3A_476 = tpu.memref_slice %arg6[%dma_start3A_475, %add3A_464] : memref<32x128xf32, #tpu.memory_space<vmem_shared>> -> memref<32x1xf32, #tpu.memory_space<vmem_shared>>
      %dma_start3A_477 = tpu.memref_squeeze %dma_start3A_476 : memref<32x1xf32, #tpu.memory_space<vmem_shared>> -> memref<32xf32, #tpu.memory_space<vmem_shared>>
      tpu.enqueue_dma source(%dma_start3A_477 : memref<32xf32, #tpu.memory_space<vmem_shared>>) target(%dma_start3A_474 : memref<32xf32, #tpu.memory_space<vmem>>) target_semaphore(%arg9 : memref<!tpu.dma_semaphore, #tpu.memory_space<semaphore_mem>>)
      %add3A_478 = arith.constant 15 : i32
      %add3A_479 = arith.addi %mul3A_4, %add3A_478 : i32
      %dma_start3A_480 = arith.constant 15 : i32
      %dma_start3A_481 = arith.constant 0 : i32
      %dma_start3A_482 = tpu.memref_slice %arg7[%dma_start3A_480, %dma_start3A_481] : memref<16x32xf32, #tpu.memory_space<vmem>> -> memref<1x32xf32, #tpu.memory_space<vmem>>
      %dma_start3A_483 = tpu.memref_squeeze %dma_start3A_482 : memref<1x32xf32, #tpu.memory_space<vmem>> -> memref<32xf32, #tpu.memory_space<vmem>>
      %dma_start3A_484 = arith.constant 0 : i32
      %dma_start3A_485 = tpu.memref_slice %arg6[%dma_start3A_484, %add3A_479] : memref<32x128xf32, #tpu.memory_space<vmem_shared>> -> memref<32x1xf32, #tpu.memory_space<vmem_shared>>
      %dma_start3A_486 = tpu.memref_squeeze %dma_start3A_485 : memref<32x1xf32, #tpu.memory_space<vmem_shared>> -> memref<32xf32, #tpu.memory_space<vmem_shared>>
      %dma_start3A_487 = arith.constant 0 : i32
      %dma_start3A_488 = tpu.memref_slice %arg7[%dma_start3A_480, %dma_start3A_487] : memref<16x32xf32, #tpu.memory_space<vmem>> -> memref<1x32xf32, #tpu.memory_space<vmem>>
      %dma_start3A_489 = tpu.memref_squeeze %dma_start3A_488 : memref<1x32xf32, #tpu.memory_space<vmem>> -> memref<32xf32, #tpu.memory_space<vmem>>
      %dma_start3A_490 = arith.constant 0 : i32
      %dma_start3A_491 = tpu.memref_slice %arg6[%dma_start3A_490, %add3A_479] : memref<32x128xf32, #tpu.memory_space<vmem_shared>> -> memref<32x1xf32, #tpu.memory_space<vmem_shared>>
      %dma_start3A_492 = tpu.memref_squeeze %dma_start3A_491 : memref<32x1xf32, #tpu.memory_space<vmem_shared>> -> memref<32xf32, #tpu.memory_space<vmem_shared>>
      tpu.enqueue_dma source(%dma_start3A_492 : memref<32xf32, #tpu.memory_space<vmem_shared>>) target(%dma_start3A_489 : memref<32xf32, #tpu.memory_space<vmem>>) target_semaphore(%arg9 : memref<!tpu.dma_semaphore, #tpu.memory_space<semaphore_mem>>)
    } else {
    }
    %not3A = arith.constant true
    %not3A_15 = arith.xori %lt3A_1, %not3A : i1
    %convert_element_type3A_16 = arith.extui %not3A_15 : i1 to i32
    %cond3A_17 = arith.constant 0 : i32
    %cond3A_18 = arith.cmpi ne, %convert_element_type3A_16, %cond3A_17 : i32
    scf.if %cond3A_18 {
      %add3A_254 = arith.constant 0 : i32
      %add3A_255 = arith.addi %mul3A_4, %add3A_254 : i32
      %dma_start3A = arith.constant 0 : i32
      %dma_start3A_256 = arith.constant 0 : i32
      %dma_start3A_257 = tpu.memref_slice %arg7[%dma_start3A, %dma_start3A_256] : memref<16x32xf32, #tpu.memory_space<vmem>> -> memref<1x32xf32, #tpu.memory_space<vmem>>
      %dma_start3A_258 = tpu.memref_squeeze %dma_start3A_257 : memref<1x32xf32, #tpu.memory_space<vmem>> -> memref<32xf32, #tpu.memory_space<vmem>>
      %dma_start3A_259 = arith.constant 0 : i32
      %dma_start3A_260 = tpu.memref_slice %arg5[%dma_start3A_259, %add3A_255] : memref<32x128xf32, #tpu.memory_space<vmem_shared>> -> memref<32x1xf32, #tpu.memory_space<vmem_shared>>
      %dma_start3A_261 = tpu.memref_squeeze %dma_start3A_260 : memref<32x1xf32, #tpu.memory_space<vmem_shared>> -> memref<32xf32, #tpu.memory_space<vmem_shared>>
      %dma_start3A_262 = arith.constant 0 : i32
      %dma_start3A_263 = tpu.memref_slice %arg7[%dma_start3A, %dma_start3A_262] : memref<16x32xf32, #tpu.memory_space<vmem>> -> memref<1x32xf32, #tpu.memory_space<vmem>>
      %dma_start3A_264 = tpu.memref_squeeze %dma_start3A_263 : memref<1x32xf32, #tpu.memory_space<vmem>> -> memref<32xf32, #tpu.memory_space<vmem>>
      %dma_start3A_265 = arith.constant 0 : i32
      %dma_start3A_266 = tpu.memref_slice %arg5[%dma_start3A_265, %add3A_255] : memref<32x128xf32, #tpu.memory_space<vmem_shared>> -> memref<32x1xf32, #tpu.memory_space<vmem_shared>>
      %dma_start3A_267 = tpu.memref_squeeze %dma_start3A_266 : memref<32x1xf32, #tpu.memory_space<vmem_shared>> -> memref<32xf32, #tpu.memory_space<vmem_shared>>
      tpu.enqueue_dma source(%dma_start3A_267 : memref<32xf32, #tpu.memory_space<vmem_shared>>) target(%dma_start3A_264 : memref<32xf32, #tpu.memory_space<vmem>>) target_semaphore(%arg9 : memref<!tpu.dma_semaphore, #tpu.memory_space<semaphore_mem>>)
      %add3A_268 = arith.constant 1 : i32
      %add3A_269 = arith.addi %mul3A_4, %add3A_268 : i32
      %dma_start3A_270 = arith.constant 1 : i32
      %dma_start3A_271 = arith.constant 0 : i32
      %dma_start3A_272 = tpu.memref_slice %arg7[%dma_start3A_270, %dma_start3A_271] : memref<16x32xf32, #tpu.memory_space<vmem>> -> memref<1x32xf32, #tpu.memory_space<vmem>>
      %dma_start3A_273 = tpu.memref_squeeze %dma_start3A_272 : memref<1x32xf32, #tpu.memory_space<vmem>> -> memref<32xf32, #tpu.memory_space<vmem>>
      %dma_start3A_274 = arith.constant 0 : i32
      %dma_start3A_275 = tpu.memref_slice %arg5[%dma_start3A_274, %add3A_269] : memref<32x128xf32, #tpu.memory_space<vmem_shared>> -> memref<32x1xf32, #tpu.memory_space<vmem_shared>>
      %dma_start3A_276 = tpu.memref_squeeze %dma_start3A_275 : memref<32x1xf32, #tpu.memory_space<vmem_shared>> -> memref<32xf32, #tpu.memory_space<vmem_shared>>
      %dma_start3A_277 = arith.constant 0 : i32
      %dma_start3A_278 = tpu.memref_slice %arg7[%dma_start3A_270, %dma_start3A_277] : memref<16x32xf32, #tpu.memory_space<vmem>> -> memref<1x32xf32, #tpu.memory_space<vmem>>
      %dma_start3A_279 = tpu.memref_squeeze %dma_start3A_278 : memref<1x32xf32, #tpu.memory_space<vmem>> -> memref<32xf32, #tpu.memory_space<vmem>>
      %dma_start3A_280 = arith.constant 0 : i32
      %dma_start3A_281 = tpu.memref_slice %arg5[%dma_start3A_280, %add3A_269] : memref<32x128xf32, #tpu.memory_space<vmem_shared>> -> memref<32x1xf32, #tpu.memory_space<vmem_shared>>
      %dma_start3A_282 = tpu.memref_squeeze %dma_start3A_281 : memref<32x1xf32, #tpu.memory_space<vmem_shared>> -> memref<32xf32, #tpu.memory_space<vmem_shared>>
      tpu.enqueue_dma source(%dma_start3A_282 : memref<32xf32, #tpu.memory_space<vmem_shared>>) target(%dma_start3A_279 : memref<32xf32, #tpu.memory_space<vmem>>) target_semaphore(%arg9 : memref<!tpu.dma_semaphore, #tpu.memory_space<semaphore_mem>>)
      %add3A_283 = arith.constant 2 : i32
      %add3A_284 = arith.addi %mul3A_4, %add3A_283 : i32
      %dma_start3A_285 = arith.constant 2 : i32
      %dma_start3A_286 = arith.constant 0 : i32
      %dma_start3A_287 = tpu.memref_slice %arg7[%dma_start3A_285, %dma_start3A_286] : memref<16x32xf32, #tpu.memory_space<vmem>> -> memref<1x32xf32, #tpu.memory_space<vmem>>
      %dma_start3A_288 = tpu.memref_squeeze %dma_start3A_287 : memref<1x32xf32, #tpu.memory_space<vmem>> -> memref<32xf32, #tpu.memory_space<vmem>>
      %dma_start3A_289 = arith.constant 0 : i32
      %dma_start3A_290 = tpu.memref_slice %arg5[%dma_start3A_289, %add3A_284] : memref<32x128xf32, #tpu.memory_space<vmem_shared>> -> memref<32x1xf32, #tpu.memory_space<vmem_shared>>
      %dma_start3A_291 = tpu.memref_squeeze %dma_start3A_290 : memref<32x1xf32, #tpu.memory_space<vmem_shared>> -> memref<32xf32, #tpu.memory_space<vmem_shared>>
      %dma_start3A_292 = arith.constant 0 : i32
      %dma_start3A_293 = tpu.memref_slice %arg7[%dma_start3A_285, %dma_start3A_292] : memref<16x32xf32, #tpu.memory_space<vmem>> -> memref<1x32xf32, #tpu.memory_space<vmem>>
      %dma_start3A_294 = tpu.memref_squeeze %dma_start3A_293 : memref<1x32xf32, #tpu.memory_space<vmem>> -> memref<32xf32, #tpu.memory_space<vmem>>
      %dma_start3A_295 = arith.constant 0 : i32
      %dma_start3A_296 = tpu.memref_slice %arg5[%dma_start3A_295, %add3A_284] : memref<32x128xf32, #tpu.memory_space<vmem_shared>> -> memref<32x1xf32, #tpu.memory_space<vmem_shared>>
      %dma_start3A_297 = tpu.memref_squeeze %dma_start3A_296 : memref<32x1xf32, #tpu.memory_space<vmem_shared>> -> memref<32xf32, #tpu.memory_space<vmem_shared>>
      tpu.enqueue_dma source(%dma_start3A_297 : memref<32xf32, #tpu.memory_space<vmem_shared>>) target(%dma_start3A_294 : memref<32xf32, #tpu.memory_space<vmem>>) target_semaphore(%arg9 : memref<!tpu.dma_semaphore, #tpu.memory_space<semaphore_mem>>)
      %add3A_298 = arith.constant 3 : i32
      %add3A_299 = arith.addi %mul3A_4, %add3A_298 : i32
      %dma_start3A_300 = arith.constant 3 : i32
      %dma_start3A_301 = arith.constant 0 : i32
      %dma_start3A_302 = tpu.memref_slice %arg7[%dma_start3A_300, %dma_start3A_301] : memref<16x32xf32, #tpu.memory_space<vmem>> -> memref<1x32xf32, #tpu.memory_space<vmem>>
      %dma_start3A_303 = tpu.memref_squeeze %dma_start3A_302 : memref<1x32xf32, #tpu.memory_space<vmem>> -> memref<32xf32, #tpu.memory_space<vmem>>
      %dma_start3A_304 = arith.constant 0 : i32
      %dma_start3A_305 = tpu.memref_slice %arg5[%dma_start3A_304, %add3A_299] : memref<32x128xf32, #tpu.memory_space<vmem_shared>> -> memref<32x1xf32, #tpu.memory_space<vmem_shared>>
      %dma_start3A_306 = tpu.memref_squeeze %dma_start3A_305 : memref<32x1xf32, #tpu.memory_space<vmem_shared>> -> memref<32xf32, #tpu.memory_space<vmem_shared>>
      %dma_start3A_307 = arith.constant 0 : i32
      %dma_start3A_308 = tpu.memref_slice %arg7[%dma_start3A_300, %dma_start3A_307] : memref<16x32xf32, #tpu.memory_space<vmem>> -> memref<1x32xf32, #tpu.memory_space<vmem>>
      %dma_start3A_309 = tpu.memref_squeeze %dma_start3A_308 : memref<1x32xf32, #tpu.memory_space<vmem>> -> memref<32xf32, #tpu.memory_space<vmem>>
      %dma_start3A_310 = arith.constant 0 : i32
      %dma_start3A_311 = tpu.memref_slice %arg5[%dma_start3A_310, %add3A_299] : memref<32x128xf32, #tpu.memory_space<vmem_shared>> -> memref<32x1xf32, #tpu.memory_space<vmem_shared>>
      %dma_start3A_312 = tpu.memref_squeeze %dma_start3A_311 : memref<32x1xf32, #tpu.memory_space<vmem_shared>> -> memref<32xf32, #tpu.memory_space<vmem_shared>>
      tpu.enqueue_dma source(%dma_start3A_312 : memref<32xf32, #tpu.memory_space<vmem_shared>>) target(%dma_start3A_309 : memref<32xf32, #tpu.memory_space<vmem>>) target_semaphore(%arg9 : memref<!tpu.dma_semaphore, #tpu.memory_space<semaphore_mem>>)
      %add3A_313 = arith.constant 4 : i32
      %add3A_314 = arith.addi %mul3A_4, %add3A_313 : i32
      %dma_start3A_315 = arith.constant 4 : i32
      %dma_start3A_316 = arith.constant 0 : i32
      %dma_start3A_317 = tpu.memref_slice %arg7[%dma_start3A_315, %dma_start3A_316] : memref<16x32xf32, #tpu.memory_space<vmem>> -> memref<1x32xf32, #tpu.memory_space<vmem>>
      %dma_start3A_318 = tpu.memref_squeeze %dma_start3A_317 : memref<1x32xf32, #tpu.memory_space<vmem>> -> memref<32xf32, #tpu.memory_space<vmem>>
      %dma_start3A_319 = arith.constant 0 : i32
      %dma_start3A_320 = tpu.memref_slice %arg5[%dma_start3A_319, %add3A_314] : memref<32x128xf32, #tpu.memory_space<vmem_shared>> -> memref<32x1xf32, #tpu.memory_space<vmem_shared>>
      %dma_start3A_321 = tpu.memref_squeeze %dma_start3A_320 : memref<32x1xf32, #tpu.memory_space<vmem_shared>> -> memref<32xf32, #tpu.memory_space<vmem_shared>>
      %dma_start3A_322 = arith.constant 0 : i32
      %dma_start3A_323 = tpu.memref_slice %arg7[%dma_start3A_315, %dma_start3A_322] : memref<16x32xf32, #tpu.memory_space<vmem>> -> memref<1x32xf32, #tpu.memory_space<vmem>>
      %dma_start3A_324 = tpu.memref_squeeze %dma_start3A_323 : memref<1x32xf32, #tpu.memory_space<vmem>> -> memref<32xf32, #tpu.memory_space<vmem>>
      %dma_start3A_325 = arith.constant 0 : i32
      %dma_start3A_326 = tpu.memref_slice %arg5[%dma_start3A_325, %add3A_314] : memref<32x128xf32, #tpu.memory_space<vmem_shared>> -> memref<32x1xf32, #tpu.memory_space<vmem_shared>>
      %dma_start3A_327 = tpu.memref_squeeze %dma_start3A_326 : memref<32x1xf32, #tpu.memory_space<vmem_shared>> -> memref<32xf32, #tpu.memory_space<vmem_shared>>
      tpu.enqueue_dma source(%dma_start3A_327 : memref<32xf32, #tpu.memory_space<vmem_shared>>) target(%dma_start3A_324 : memref<32xf32, #tpu.memory_space<vmem>>) target_semaphore(%arg9 : memref<!tpu.dma_semaphore, #tpu.memory_space<semaphore_mem>>)
      %add3A_328 = arith.constant 5 : i32
      %add3A_329 = arith.addi %mul3A_4, %add3A_328 : i32
      %dma_start3A_330 = arith.constant 5 : i32
      %dma_start3A_331 = arith.constant 0 : i32
      %dma_start3A_332 = tpu.memref_slice %arg7[%dma_start3A_330, %dma_start3A_331] : memref<16x32xf32, #tpu.memory_space<vmem>> -> memref<1x32xf32, #tpu.memory_space<vmem>>
      %dma_start3A_333 = tpu.memref_squeeze %dma_start3A_332 : memref<1x32xf32, #tpu.memory_space<vmem>> -> memref<32xf32, #tpu.memory_space<vmem>>
      %dma_start3A_334 = arith.constant 0 : i32
      %dma_start3A_335 = tpu.memref_slice %arg5[%dma_start3A_334, %add3A_329] : memref<32x128xf32, #tpu.memory_space<vmem_shared>> -> memref<32x1xf32, #tpu.memory_space<vmem_shared>>
      %dma_start3A_336 = tpu.memref_squeeze %dma_start3A_335 : memref<32x1xf32, #tpu.memory_space<vmem_shared>> -> memref<32xf32, #tpu.memory_space<vmem_shared>>
      %dma_start3A_337 = arith.constant 0 : i32
      %dma_start3A_338 = tpu.memref_slice %arg7[%dma_start3A_330, %dma_start3A_337] : memref<16x32xf32, #tpu.memory_space<vmem>> -> memref<1x32xf32, #tpu.memory_space<vmem>>
      %dma_start3A_339 = tpu.memref_squeeze %dma_start3A_338 : memref<1x32xf32, #tpu.memory_space<vmem>> -> memref<32xf32, #tpu.memory_space<vmem>>
      %dma_start3A_340 = arith.constant 0 : i32
      %dma_start3A_341 = tpu.memref_slice %arg5[%dma_start3A_340, %add3A_329] : memref<32x128xf32, #tpu.memory_space<vmem_shared>> -> memref<32x1xf32, #tpu.memory_space<vmem_shared>>
      %dma_start3A_342 = tpu.memref_squeeze %dma_start3A_341 : memref<32x1xf32, #tpu.memory_space<vmem_shared>> -> memref<32xf32, #tpu.memory_space<vmem_shared>>
      tpu.enqueue_dma source(%dma_start3A_342 : memref<32xf32, #tpu.memory_space<vmem_shared>>) target(%dma_start3A_339 : memref<32xf32, #tpu.memory_space<vmem>>) target_semaphore(%arg9 : memref<!tpu.dma_semaphore, #tpu.memory_space<semaphore_mem>>)
      %add3A_343 = arith.constant 6 : i32
      %add3A_344 = arith.addi %mul3A_4, %add3A_343 : i32
      %dma_start3A_345 = arith.constant 6 : i32
      %dma_start3A_346 = arith.constant 0 : i32
      %dma_start3A_347 = tpu.memref_slice %arg7[%dma_start3A_345, %dma_start3A_346] : memref<16x32xf32, #tpu.memory_space<vmem>> -> memref<1x32xf32, #tpu.memory_space<vmem>>
      %dma_start3A_348 = tpu.memref_squeeze %dma_start3A_347 : memref<1x32xf32, #tpu.memory_space<vmem>> -> memref<32xf32, #tpu.memory_space<vmem>>
      %dma_start3A_349 = arith.constant 0 : i32
      %dma_start3A_350 = tpu.memref_slice %arg5[%dma_start3A_349, %add3A_344] : memref<32x128xf32, #tpu.memory_space<vmem_shared>> -> memref<32x1xf32, #tpu.memory_space<vmem_shared>>
      %dma_start3A_351 = tpu.memref_squeeze %dma_start3A_350 : memref<32x1xf32, #tpu.memory_space<vmem_shared>> -> memref<32xf32, #tpu.memory_space<vmem_shared>>
      %dma_start3A_352 = arith.constant 0 : i32
      %dma_start3A_353 = tpu.memref_slice %arg7[%dma_start3A_345, %dma_start3A_352] : memref<16x32xf32, #tpu.memory_space<vmem>> -> memref<1x32xf32, #tpu.memory_space<vmem>>
      %dma_start3A_354 = tpu.memref_squeeze %dma_start3A_353 : memref<1x32xf32, #tpu.memory_space<vmem>> -> memref<32xf32, #tpu.memory_space<vmem>>
      %dma_start3A_355 = arith.constant 0 : i32
      %dma_start3A_356 = tpu.memref_slice %arg5[%dma_start3A_355, %add3A_344] : memref<32x128xf32, #tpu.memory_space<vmem_shared>> -> memref<32x1xf32, #tpu.memory_space<vmem_shared>>
      %dma_start3A_357 = tpu.memref_squeeze %dma_start3A_356 : memref<32x1xf32, #tpu.memory_space<vmem_shared>> -> memref<32xf32, #tpu.memory_space<vmem_shared>>
      tpu.enqueue_dma source(%dma_start3A_357 : memref<32xf32, #tpu.memory_space<vmem_shared>>) target(%dma_start3A_354 : memref<32xf32, #tpu.memory_space<vmem>>) target_semaphore(%arg9 : memref<!tpu.dma_semaphore, #tpu.memory_space<semaphore_mem>>)
      %add3A_358 = arith.constant 7 : i32
      %add3A_359 = arith.addi %mul3A_4, %add3A_358 : i32
      %dma_start3A_360 = arith.constant 7 : i32
      %dma_start3A_361 = arith.constant 0 : i32
      %dma_start3A_362 = tpu.memref_slice %arg7[%dma_start3A_360, %dma_start3A_361] : memref<16x32xf32, #tpu.memory_space<vmem>> -> memref<1x32xf32, #tpu.memory_space<vmem>>
      %dma_start3A_363 = tpu.memref_squeeze %dma_start3A_362 : memref<1x32xf32, #tpu.memory_space<vmem>> -> memref<32xf32, #tpu.memory_space<vmem>>
      %dma_start3A_364 = arith.constant 0 : i32
      %dma_start3A_365 = tpu.memref_slice %arg5[%dma_start3A_364, %add3A_359] : memref<32x128xf32, #tpu.memory_space<vmem_shared>> -> memref<32x1xf32, #tpu.memory_space<vmem_shared>>
      %dma_start3A_366 = tpu.memref_squeeze %dma_start3A_365 : memref<32x1xf32, #tpu.memory_space<vmem_shared>> -> memref<32xf32, #tpu.memory_space<vmem_shared>>
      %dma_start3A_367 = arith.constant 0 : i32
      %dma_start3A_368 = tpu.memref_slice %arg7[%dma_start3A_360, %dma_start3A_367] : memref<16x32xf32, #tpu.memory_space<vmem>> -> memref<1x32xf32, #tpu.memory_space<vmem>>
      %dma_start3A_369 = tpu.memref_squeeze %dma_start3A_368 : memref<1x32xf32, #tpu.memory_space<vmem>> -> memref<32xf32, #tpu.memory_space<vmem>>
      %dma_start3A_370 = arith.constant 0 : i32
      %dma_start3A_371 = tpu.memref_slice %arg5[%dma_start3A_370, %add3A_359] : memref<32x128xf32, #tpu.memory_space<vmem_shared>> -> memref<32x1xf32, #tpu.memory_space<vmem_shared>>
      %dma_start3A_372 = tpu.memref_squeeze %dma_start3A_371 : memref<32x1xf32, #tpu.memory_space<vmem_shared>> -> memref<32xf32, #tpu.memory_space<vmem_shared>>
      tpu.enqueue_dma source(%dma_start3A_372 : memref<32xf32, #tpu.memory_space<vmem_shared>>) target(%dma_start3A_369 : memref<32xf32, #tpu.memory_space<vmem>>) target_semaphore(%arg9 : memref<!tpu.dma_semaphore, #tpu.memory_space<semaphore_mem>>)
      %add3A_373 = arith.constant 8 : i32
      %add3A_374 = arith.addi %mul3A_4, %add3A_373 : i32
      %dma_start3A_375 = arith.constant 8 : i32
      %dma_start3A_376 = arith.constant 0 : i32
      %dma_start3A_377 = tpu.memref_slice %arg7[%dma_start3A_375, %dma_start3A_376] : memref<16x32xf32, #tpu.memory_space<vmem>> -> memref<1x32xf32, #tpu.memory_space<vmem>>
      %dma_start3A_378 = tpu.memref_squeeze %dma_start3A_377 : memref<1x32xf32, #tpu.memory_space<vmem>> -> memref<32xf32, #tpu.memory_space<vmem>>
      %dma_start3A_379 = arith.constant 0 : i32
      %dma_start3A_380 = tpu.memref_slice %arg5[%dma_start3A_379, %add3A_374] : memref<32x128xf32, #tpu.memory_space<vmem_shared>> -> memref<32x1xf32, #tpu.memory_space<vmem_shared>>
      %dma_start3A_381 = tpu.memref_squeeze %dma_start3A_380 : memref<32x1xf32, #tpu.memory_space<vmem_shared>> -> memref<32xf32, #tpu.memory_space<vmem_shared>>
      %dma_start3A_382 = arith.constant 0 : i32
      %dma_start3A_383 = tpu.memref_slice %arg7[%dma_start3A_375, %dma_start3A_382] : memref<16x32xf32, #tpu.memory_space<vmem>> -> memref<1x32xf32, #tpu.memory_space<vmem>>
      %dma_start3A_384 = tpu.memref_squeeze %dma_start3A_383 : memref<1x32xf32, #tpu.memory_space<vmem>> -> memref<32xf32, #tpu.memory_space<vmem>>
      %dma_start3A_385 = arith.constant 0 : i32
      %dma_start3A_386 = tpu.memref_slice %arg5[%dma_start3A_385, %add3A_374] : memref<32x128xf32, #tpu.memory_space<vmem_shared>> -> memref<32x1xf32, #tpu.memory_space<vmem_shared>>
      %dma_start3A_387 = tpu.memref_squeeze %dma_start3A_386 : memref<32x1xf32, #tpu.memory_space<vmem_shared>> -> memref<32xf32, #tpu.memory_space<vmem_shared>>
      tpu.enqueue_dma source(%dma_start3A_387 : memref<32xf32, #tpu.memory_space<vmem_shared>>) target(%dma_start3A_384 : memref<32xf32, #tpu.memory_space<vmem>>) target_semaphore(%arg9 : memref<!tpu.dma_semaphore, #tpu.memory_space<semaphore_mem>>)
      %add3A_388 = arith.constant 9 : i32
      %add3A_389 = arith.addi %mul3A_4, %add3A_388 : i32
      %dma_start3A_390 = arith.constant 9 : i32
      %dma_start3A_391 = arith.constant 0 : i32
      %dma_start3A_392 = tpu.memref_slice %arg7[%dma_start3A_390, %dma_start3A_391] : memref<16x32xf32, #tpu.memory_space<vmem>> -> memref<1x32xf32, #tpu.memory_space<vmem>>
      %dma_start3A_393 = tpu.memref_squeeze %dma_start3A_392 : memref<1x32xf32, #tpu.memory_space<vmem>> -> memref<32xf32, #tpu.memory_space<vmem>>
      %dma_start3A_394 = arith.constant 0 : i32
      %dma_start3A_395 = tpu.memref_slice %arg5[%dma_start3A_394, %add3A_389] : memref<32x128xf32, #tpu.memory_space<vmem_shared>> -> memref<32x1xf32, #tpu.memory_space<vmem_shared>>
      %dma_start3A_396 = tpu.memref_squeeze %dma_start3A_395 : memref<32x1xf32, #tpu.memory_space<vmem_shared>> -> memref<32xf32, #tpu.memory_space<vmem_shared>>
      %dma_start3A_397 = arith.constant 0 : i32
      %dma_start3A_398 = tpu.memref_slice %arg7[%dma_start3A_390, %dma_start3A_397] : memref<16x32xf32, #tpu.memory_space<vmem>> -> memref<1x32xf32, #tpu.memory_space<vmem>>
      %dma_start3A_399 = tpu.memref_squeeze %dma_start3A_398 : memref<1x32xf32, #tpu.memory_space<vmem>> -> memref<32xf32, #tpu.memory_space<vmem>>
      %dma_start3A_400 = arith.constant 0 : i32
      %dma_start3A_401 = tpu.memref_slice %arg5[%dma_start3A_400, %add3A_389] : memref<32x128xf32, #tpu.memory_space<vmem_shared>> -> memref<32x1xf32, #tpu.memory_space<vmem_shared>>
      %dma_start3A_402 = tpu.memref_squeeze %dma_start3A_401 : memref<32x1xf32, #tpu.memory_space<vmem_shared>> -> memref<32xf32, #tpu.memory_space<vmem_shared>>
      tpu.enqueue_dma source(%dma_start3A_402 : memref<32xf32, #tpu.memory_space<vmem_shared>>) target(%dma_start3A_399 : memref<32xf32, #tpu.memory_space<vmem>>) target_semaphore(%arg9 : memref<!tpu.dma_semaphore, #tpu.memory_space<semaphore_mem>>)
      %add3A_403 = arith.constant 10 : i32
      %add3A_404 = arith.addi %mul3A_4, %add3A_403 : i32
      %dma_start3A_405 = arith.constant 10 : i32
      %dma_start3A_406 = arith.constant 0 : i32
      %dma_start3A_407 = tpu.memref_slice %arg7[%dma_start3A_405, %dma_start3A_406] : memref<16x32xf32, #tpu.memory_space<vmem>> -> memref<1x32xf32, #tpu.memory_space<vmem>>
      %dma_start3A_408 = tpu.memref_squeeze %dma_start3A_407 : memref<1x32xf32, #tpu.memory_space<vmem>> -> memref<32xf32, #tpu.memory_space<vmem>>
      %dma_start3A_409 = arith.constant 0 : i32
      %dma_start3A_410 = tpu.memref_slice %arg5[%dma_start3A_409, %add3A_404] : memref<32x128xf32, #tpu.memory_space<vmem_shared>> -> memref<32x1xf32, #tpu.memory_space<vmem_shared>>
      %dma_start3A_411 = tpu.memref_squeeze %dma_start3A_410 : memref<32x1xf32, #tpu.memory_space<vmem_shared>> -> memref<32xf32, #tpu.memory_space<vmem_shared>>
      %dma_start3A_412 = arith.constant 0 : i32
      %dma_start3A_413 = tpu.memref_slice %arg7[%dma_start3A_405, %dma_start3A_412] : memref<16x32xf32, #tpu.memory_space<vmem>> -> memref<1x32xf32, #tpu.memory_space<vmem>>
      %dma_start3A_414 = tpu.memref_squeeze %dma_start3A_413 : memref<1x32xf32, #tpu.memory_space<vmem>> -> memref<32xf32, #tpu.memory_space<vmem>>
      %dma_start3A_415 = arith.constant 0 : i32
      %dma_start3A_416 = tpu.memref_slice %arg5[%dma_start3A_415, %add3A_404] : memref<32x128xf32, #tpu.memory_space<vmem_shared>> -> memref<32x1xf32, #tpu.memory_space<vmem_shared>>
      %dma_start3A_417 = tpu.memref_squeeze %dma_start3A_416 : memref<32x1xf32, #tpu.memory_space<vmem_shared>> -> memref<32xf32, #tpu.memory_space<vmem_shared>>
      tpu.enqueue_dma source(%dma_start3A_417 : memref<32xf32, #tpu.memory_space<vmem_shared>>) target(%dma_start3A_414 : memref<32xf32, #tpu.memory_space<vmem>>) target_semaphore(%arg9 : memref<!tpu.dma_semaphore, #tpu.memory_space<semaphore_mem>>)
      %add3A_418 = arith.constant 11 : i32
      %add3A_419 = arith.addi %mul3A_4, %add3A_418 : i32
      %dma_start3A_420 = arith.constant 11 : i32
      %dma_start3A_421 = arith.constant 0 : i32
      %dma_start3A_422 = tpu.memref_slice %arg7[%dma_start3A_420, %dma_start3A_421] : memref<16x32xf32, #tpu.memory_space<vmem>> -> memref<1x32xf32, #tpu.memory_space<vmem>>
      %dma_start3A_423 = tpu.memref_squeeze %dma_start3A_422 : memref<1x32xf32, #tpu.memory_space<vmem>> -> memref<32xf32, #tpu.memory_space<vmem>>
      %dma_start3A_424 = arith.constant 0 : i32
      %dma_start3A_425 = tpu.memref_slice %arg5[%dma_start3A_424, %add3A_419] : memref<32x128xf32, #tpu.memory_space<vmem_shared>> -> memref<32x1xf32, #tpu.memory_space<vmem_shared>>
      %dma_start3A_426 = tpu.memref_squeeze %dma_start3A_425 : memref<32x1xf32, #tpu.memory_space<vmem_shared>> -> memref<32xf32, #tpu.memory_space<vmem_shared>>
      %dma_start3A_427 = arith.constant 0 : i32
      %dma_start3A_428 = tpu.memref_slice %arg7[%dma_start3A_420, %dma_start3A_427] : memref<16x32xf32, #tpu.memory_space<vmem>> -> memref<1x32xf32, #tpu.memory_space<vmem>>
      %dma_start3A_429 = tpu.memref_squeeze %dma_start3A_428 : memref<1x32xf32, #tpu.memory_space<vmem>> -> memref<32xf32, #tpu.memory_space<vmem>>
      %dma_start3A_430 = arith.constant 0 : i32
      %dma_start3A_431 = tpu.memref_slice %arg5[%dma_start3A_430, %add3A_419] : memref<32x128xf32, #tpu.memory_space<vmem_shared>> -> memref<32x1xf32, #tpu.memory_space<vmem_shared>>
      %dma_start3A_432 = tpu.memref_squeeze %dma_start3A_431 : memref<32x1xf32, #tpu.memory_space<vmem_shared>> -> memref<32xf32, #tpu.memory_space<vmem_shared>>
      tpu.enqueue_dma source(%dma_start3A_432 : memref<32xf32, #tpu.memory_space<vmem_shared>>) target(%dma_start3A_429 : memref<32xf32, #tpu.memory_space<vmem>>) target_semaphore(%arg9 : memref<!tpu.dma_semaphore, #tpu.memory_space<semaphore_mem>>)
      %add3A_433 = arith.constant 12 : i32
      %add3A_434 = arith.addi %mul3A_4, %add3A_433 : i32
      %dma_start3A_435 = arith.constant 12 : i32
      %dma_start3A_436 = arith.constant 0 : i32
      %dma_start3A_437 = tpu.memref_slice %arg7[%dma_start3A_435, %dma_start3A_436] : memref<16x32xf32, #tpu.memory_space<vmem>> -> memref<1x32xf32, #tpu.memory_space<vmem>>
      %dma_start3A_438 = tpu.memref_squeeze %dma_start3A_437 : memref<1x32xf32, #tpu.memory_space<vmem>> -> memref<32xf32, #tpu.memory_space<vmem>>
      %dma_start3A_439 = arith.constant 0 : i32
      %dma_start3A_440 = tpu.memref_slice %arg5[%dma_start3A_439, %add3A_434] : memref<32x128xf32, #tpu.memory_space<vmem_shared>> -> memref<32x1xf32, #tpu.memory_space<vmem_shared>>
      %dma_start3A_441 = tpu.memref_squeeze %dma_start3A_440 : memref<32x1xf32, #tpu.memory_space<vmem_shared>> -> memref<32xf32, #tpu.memory_space<vmem_shared>>
      %dma_start3A_442 = arith.constant 0 : i32
      %dma_start3A_443 = tpu.memref_slice %arg7[%dma_start3A_435, %dma_start3A_442] : memref<16x32xf32, #tpu.memory_space<vmem>> -> memref<1x32xf32, #tpu.memory_space<vmem>>
      %dma_start3A_444 = tpu.memref_squeeze %dma_start3A_443 : memref<1x32xf32, #tpu.memory_space<vmem>> -> memref<32xf32, #tpu.memory_space<vmem>>
      %dma_start3A_445 = arith.constant 0 : i32
      %dma_start3A_446 = tpu.memref_slice %arg5[%dma_start3A_445, %add3A_434] : memref<32x128xf32, #tpu.memory_space<vmem_shared>> -> memref<32x1xf32, #tpu.memory_space<vmem_shared>>
      %dma_start3A_447 = tpu.memref_squeeze %dma_start3A_446 : memref<32x1xf32, #tpu.memory_space<vmem_shared>> -> memref<32xf32, #tpu.memory_space<vmem_shared>>
      tpu.enqueue_dma source(%dma_start3A_447 : memref<32xf32, #tpu.memory_space<vmem_shared>>) target(%dma_start3A_444 : memref<32xf32, #tpu.memory_space<vmem>>) target_semaphore(%arg9 : memref<!tpu.dma_semaphore, #tpu.memory_space<semaphore_mem>>)
      %add3A_448 = arith.constant 13 : i32
      %add3A_449 = arith.addi %mul3A_4, %add3A_448 : i32
      %dma_start3A_450 = arith.constant 13 : i32
      %dma_start3A_451 = arith.constant 0 : i32
      %dma_start3A_452 = tpu.memref_slice %arg7[%dma_start3A_450, %dma_start3A_451] : memref<16x32xf32, #tpu.memory_space<vmem>> -> memref<1x32xf32, #tpu.memory_space<vmem>>
      %dma_start3A_453 = tpu.memref_squeeze %dma_start3A_452 : memref<1x32xf32, #tpu.memory_space<vmem>> -> memref<32xf32, #tpu.memory_space<vmem>>
      %dma_start3A_454 = arith.constant 0 : i32
      %dma_start3A_455 = tpu.memref_slice %arg5[%dma_start3A_454, %add3A_449] : memref<32x128xf32, #tpu.memory_space<vmem_shared>> -> memref<32x1xf32, #tpu.memory_space<vmem_shared>>
      %dma_start3A_456 = tpu.memref_squeeze %dma_start3A_455 : memref<32x1xf32, #tpu.memory_space<vmem_shared>> -> memref<32xf32, #tpu.memory_space<vmem_shared>>
      %dma_start3A_457 = arith.constant 0 : i32
      %dma_start3A_458 = tpu.memref_slice %arg7[%dma_start3A_450, %dma_start3A_457] : memref<16x32xf32, #tpu.memory_space<vmem>> -> memref<1x32xf32, #tpu.memory_space<vmem>>
      %dma_start3A_459 = tpu.memref_squeeze %dma_start3A_458 : memref<1x32xf32, #tpu.memory_space<vmem>> -> memref<32xf32, #tpu.memory_space<vmem>>
      %dma_start3A_460 = arith.constant 0 : i32
      %dma_start3A_461 = tpu.memref_slice %arg5[%dma_start3A_460, %add3A_449] : memref<32x128xf32, #tpu.memory_space<vmem_shared>> -> memref<32x1xf32, #tpu.memory_space<vmem_shared>>
      %dma_start3A_462 = tpu.memref_squeeze %dma_start3A_461 : memref<32x1xf32, #tpu.memory_space<vmem_shared>> -> memref<32xf32, #tpu.memory_space<vmem_shared>>
      tpu.enqueue_dma source(%dma_start3A_462 : memref<32xf32, #tpu.memory_space<vmem_shared>>) target(%dma_start3A_459 : memref<32xf32, #tpu.memory_space<vmem>>) target_semaphore(%arg9 : memref<!tpu.dma_semaphore, #tpu.memory_space<semaphore_mem>>)
      %add3A_463 = arith.constant 14 : i32
      %add3A_464 = arith.addi %mul3A_4, %add3A_463 : i32
      %dma_start3A_465 = arith.constant 14 : i32
      %dma_start3A_466 = arith.constant 0 : i32
      %dma_start3A_467 = tpu.memref_slice %arg7[%dma_start3A_465, %dma_start3A_466] : memref<16x32xf32, #tpu.memory_space<vmem>> -> memref<1x32xf32, #tpu.memory_space<vmem>>
      %dma_start3A_468 = tpu.memref_squeeze %dma_start3A_467 : memref<1x32xf32, #tpu.memory_space<vmem>> -> memref<32xf32, #tpu.memory_space<vmem>>
      %dma_start3A_469 = arith.constant 0 : i32
      %dma_start3A_470 = tpu.memref_slice %arg5[%dma_start3A_469, %add3A_464] : memref<32x128xf32, #tpu.memory_space<vmem_shared>> -> memref<32x1xf32, #tpu.memory_space<vmem_shared>>
      %dma_start3A_471 = tpu.memref_squeeze %dma_start3A_470 : memref<32x1xf32, #tpu.memory_space<vmem_shared>> -> memref<32xf32, #tpu.memory_space<vmem_shared>>
      %dma_start3A_472 = arith.constant 0 : i32
      %dma_start3A_473 = tpu.memref_slice %arg7[%dma_start3A_465, %dma_start3A_472] : memref<16x32xf32, #tpu.memory_space<vmem>> -> memref<1x32xf32, #tpu.memory_space<vmem>>
      %dma_start3A_474 = tpu.memref_squeeze %dma_start3A_473 : memref<1x32xf32, #tpu.memory_space<vmem>> -> memref<32xf32, #tpu.memory_space<vmem>>
      %dma_start3A_475 = arith.constant 0 : i32
      %dma_start3A_476 = tpu.memref_slice %arg5[%dma_start3A_475, %add3A_464] : memref<32x128xf32, #tpu.memory_space<vmem_shared>> -> memref<32x1xf32, #tpu.memory_space<vmem_shared>>
      %dma_start3A_477 = tpu.memref_squeeze %dma_start3A_476 : memref<32x1xf32, #tpu.memory_space<vmem_shared>> -> memref<32xf32, #tpu.memory_space<vmem_shared>>
      tpu.enqueue_dma source(%dma_start3A_477 : memref<32xf32, #tpu.memory_space<vmem_shared>>) target(%dma_start3A_474 : memref<32xf32, #tpu.memory_space<vmem>>) target_semaphore(%arg9 : memref<!tpu.dma_semaphore, #tpu.memory_space<semaphore_mem>>)
      %add3A_478 = arith.constant 15 : i32
      %add3A_479 = arith.addi %mul3A_4, %add3A_478 : i32
      %dma_start3A_480 = arith.constant 15 : i32
      %dma_start3A_481 = arith.constant 0 : i32
      %dma_start3A_482 = tpu.memref_slice %arg7[%dma_start3A_480, %dma_start3A_481] : memref<16x32xf32, #tpu.memory_space<vmem>> -> memref<1x32xf32, #tpu.memory_space<vmem>>
      %dma_start3A_483 = tpu.memref_squeeze %dma_start3A_482 : memref<1x32xf32, #tpu.memory_space<vmem>> -> memref<32xf32, #tpu.memory_space<vmem>>
      %dma_start3A_484 = arith.constant 0 : i32
      %dma_start3A_485 = tpu.memref_slice %arg5[%dma_start3A_484, %add3A_479] : memref<32x128xf32, #tpu.memory_space<vmem_shared>> -> memref<32x1xf32, #tpu.memory_space<vmem_shared>>
      %dma_start3A_486 = tpu.memref_squeeze %dma_start3A_485 : memref<32x1xf32, #tpu.memory_space<vmem_shared>> -> memref<32xf32, #tpu.memory_space<vmem_shared>>
      %dma_start3A_487 = arith.constant 0 : i32
      %dma_start3A_488 = tpu.memref_slice %arg7[%dma_start3A_480, %dma_start3A_487] : memref<16x32xf32, #tpu.memory_space<vmem>> -> memref<1x32xf32, #tpu.memory_space<vmem>>
      %dma_start3A_489 = tpu.memref_squeeze %dma_start3A_488 : memref<1x32xf32, #tpu.memory_space<vmem>> -> memref<32xf32, #tpu.memory_space<vmem>>
      %dma_start3A_490 = arith.constant 0 : i32
      %dma_start3A_491 = tpu.memref_slice %arg5[%dma_start3A_490, %add3A_479] : memref<32x128xf32, #tpu.memory_space<vmem_shared>> -> memref<32x1xf32, #tpu.memory_space<vmem_shared>>
      %dma_start3A_492 = tpu.memref_squeeze %dma_start3A_491 : memref<32x1xf32, #tpu.memory_space<vmem_shared>> -> memref<32xf32, #tpu.memory_space<vmem_shared>>
      tpu.enqueue_dma source(%dma_start3A_492 : memref<32xf32, #tpu.memory_space<vmem_shared>>) target(%dma_start3A_489 : memref<32xf32, #tpu.memory_space<vmem>>) target_semaphore(%arg9 : memref<!tpu.dma_semaphore, #tpu.memory_space<semaphore_mem>>)
    } else {
    }
    %dma_wait3A = arith.constant 0 : i32
    %dma_wait3A_19 = arith.constant 0 : i32
    %dma_wait3A_20 = arith.constant 0 : i32
    %dma_wait3A_21 = tpu.memref_slice %arg7[%dma_wait3A_19, %dma_wait3A_20] : memref<16x32xf32, #tpu.memory_space<vmem>> -> memref<1x32xf32, #tpu.memory_space<vmem>>
    %dma_wait3A_22 = tpu.memref_squeeze %dma_wait3A_21 : memref<1x32xf32, #tpu.memory_space<vmem>> -> memref<32xf32, #tpu.memory_space<vmem>>
    %dma_wait3A_23 = arith.constant 0 : i32
    %dma_wait3A_24 = tpu.memref_slice %arg6[%dma_wait3A_23, %dma_wait3A] : memref<32x128xf32, #tpu.memory_space<vmem_shared>> -> memref<32x1xf32, #tpu.memory_space<vmem_shared>>
    %dma_wait3A_25 = tpu.memref_squeeze %dma_wait3A_24 : memref<32x1xf32, #tpu.memory_space<vmem_shared>> -> memref<32xf32, #tpu.memory_space<vmem_shared>>
    %dma_wait3A_26 = arith.constant 0 : i32
    %dma_wait3A_27 = tpu.memref_slice %arg7[%dma_wait3A_19, %dma_wait3A_26] : memref<16x32xf32, #tpu.memory_space<vmem>> -> memref<1x32xf32, #tpu.memory_space<vmem>>
    %dma_wait3A_28 = tpu.memref_squeeze %dma_wait3A_27 : memref<1x32xf32, #tpu.memory_space<vmem>> -> memref<32xf32, #tpu.memory_space<vmem>>
    %dma_wait3A_29 = arith.constant 0 : i32
    %dma_wait3A_30 = tpu.memref_slice %arg6[%dma_wait3A_29, %dma_wait3A] : memref<32x128xf32, #tpu.memory_space<vmem_shared>> -> memref<32x1xf32, #tpu.memory_space<vmem_shared>>
    %dma_wait3A_31 = tpu.memref_squeeze %dma_wait3A_30 : memref<32x1xf32, #tpu.memory_space<vmem_shared>> -> memref<32xf32, #tpu.memory_space<vmem_shared>>
    tpu.wait_dma2 semaphore(%arg9 : memref<!tpu.dma_semaphore, #tpu.memory_space<semaphore_mem>>) src(%dma_wait3A_31 : memref<32xf32, #tpu.memory_space<vmem_shared>>) dst(%dma_wait3A_28 : memref<32xf32, #tpu.memory_space<vmem>>)
    %dma_wait3A_32 = arith.constant 0 : i32
    %dma_wait3A_33 = arith.constant 1 : i32
    %dma_wait3A_34 = arith.constant 0 : i32
    %dma_wait3A_35 = tpu.memref_slice %arg7[%dma_wait3A_33, %dma_wait3A_34] : memref<16x32xf32, #tpu.memory_space<vmem>> -> memref<1x32xf32, #tpu.memory_space<vmem>>
    %dma_wait3A_36 = tpu.memref_squeeze %dma_wait3A_35 : memref<1x32xf32, #tpu.memory_space<vmem>> -> memref<32xf32, #tpu.memory_space<vmem>>
    %dma_wait3A_37 = arith.constant 0 : i32
    %dma_wait3A_38 = tpu.memref_slice %arg6[%dma_wait3A_37, %dma_wait3A_32] : memref<32x128xf32, #tpu.memory_space<vmem_shared>> -> memref<32x1xf32, #tpu.memory_space<vmem_shared>>
    %dma_wait3A_39 = tpu.memref_squeeze %dma_wait3A_38 : memref<32x1xf32, #tpu.memory_space<vmem_shared>> -> memref<32xf32, #tpu.memory_space<vmem_shared>>
    %dma_wait3A_40 = arith.constant 0 : i32
    %dma_wait3A_41 = tpu.memref_slice %arg7[%dma_wait3A_33, %dma_wait3A_40] : memref<16x32xf32, #tpu.memory_space<vmem>> -> memref<1x32xf32, #tpu.memory_space<vmem>>
    %dma_wait3A_42 = tpu.memref_squeeze %dma_wait3A_41 : memref<1x32xf32, #tpu.memory_space<vmem>> -> memref<32xf32, #tpu.memory_space<vmem>>
    %dma_wait3A_43 = arith.constant 0 : i32
    %dma_wait3A_44 = tpu.memref_slice %arg6[%dma_wait3A_43, %dma_wait3A_32] : memref<32x128xf32, #tpu.memory_space<vmem_shared>> -> memref<32x1xf32, #tpu.memory_space<vmem_shared>>
    %dma_wait3A_45 = tpu.memref_squeeze %dma_wait3A_44 : memref<32x1xf32, #tpu.memory_space<vmem_shared>> -> memref<32xf32, #tpu.memory_space<vmem_shared>>
    tpu.wait_dma2 semaphore(%arg9 : memref<!tpu.dma_semaphore, #tpu.memory_space<semaphore_mem>>) src(%dma_wait3A_45 : memref<32xf32, #tpu.memory_space<vmem_shared>>) dst(%dma_wait3A_42 : memref<32xf32, #tpu.memory_space<vmem>>)
    %dma_wait3A_46 = arith.constant 0 : i32
    %dma_wait3A_47 = arith.constant 2 : i32
    %dma_wait3A_48 = arith.constant 0 : i32
    %dma_wait3A_49 = tpu.memref_slice %arg7[%dma_wait3A_47, %dma_wait3A_48] : memref<16x32xf32, #tpu.memory_space<vmem>> -> memref<1x32xf32, #tpu.memory_space<vmem>>
    %dma_wait3A_50 = tpu.memref_squeeze %dma_wait3A_49 : memref<1x32xf32, #tpu.memory_space<vmem>> -> memref<32xf32, #tpu.memory_space<vmem>>
    %dma_wait3A_51 = arith.constant 0 : i32
    %dma_wait3A_52 = tpu.memref_slice %arg6[%dma_wait3A_51, %dma_wait3A_46] : memref<32x128xf32, #tpu.memory_space<vmem_shared>> -> memref<32x1xf32, #tpu.memory_space<vmem_shared>>
    %dma_wait3A_53 = tpu.memref_squeeze %dma_wait3A_52 : memref<32x1xf32, #tpu.memory_space<vmem_shared>> -> memref<32xf32, #tpu.memory_space<vmem_shared>>
    %dma_wait3A_54 = arith.constant 0 : i32
    %dma_wait3A_55 = tpu.memref_slice %arg7[%dma_wait3A_47, %dma_wait3A_54] : memref<16x32xf32, #tpu.memory_space<vmem>> -> memref<1x32xf32, #tpu.memory_space<vmem>>
    %dma_wait3A_56 = tpu.memref_squeeze %dma_wait3A_55 : memref<1x32xf32, #tpu.memory_space<vmem>> -> memref<32xf32, #tpu.memory_space<vmem>>
    %dma_wait3A_57 = arith.constant 0 : i32
    %dma_wait3A_58 = tpu.memref_slice %arg6[%dma_wait3A_57, %dma_wait3A_46] : memref<32x128xf32, #tpu.memory_space<vmem_shared>> -> memref<32x1xf32, #tpu.memory_space<vmem_shared>>
    %dma_wait3A_59 = tpu.memref_squeeze %dma_wait3A_58 : memref<32x1xf32, #tpu.memory_space<vmem_shared>> -> memref<32xf32, #tpu.memory_space<vmem_shared>>
    tpu.wait_dma2 semaphore(%arg9 : memref<!tpu.dma_semaphore, #tpu.memory_space<semaphore_mem>>) src(%dma_wait3A_59 : memref<32xf32, #tpu.memory_space<vmem_shared>>) dst(%dma_wait3A_56 : memref<32xf32, #tpu.memory_space<vmem>>)
    %dma_wait3A_60 = arith.constant 0 : i32
    %dma_wait3A_61 = arith.constant 3 : i32
    %dma_wait3A_62 = arith.constant 0 : i32
    %dma_wait3A_63 = tpu.memref_slice %arg7[%dma_wait3A_61, %dma_wait3A_62] : memref<16x32xf32, #tpu.memory_space<vmem>> -> memref<1x32xf32, #tpu.memory_space<vmem>>
    %dma_wait3A_64 = tpu.memref_squeeze %dma_wait3A_63 : memref<1x32xf32, #tpu.memory_space<vmem>> -> memref<32xf32, #tpu.memory_space<vmem>>
    %dma_wait3A_65 = arith.constant 0 : i32
    %dma_wait3A_66 = tpu.memref_slice %arg6[%dma_wait3A_65, %dma_wait3A_60] : memref<32x128xf32, #tpu.memory_space<vmem_shared>> -> memref<32x1xf32, #tpu.memory_space<vmem_shared>>
    %dma_wait3A_67 = tpu.memref_squeeze %dma_wait3A_66 : memref<32x1xf32, #tpu.memory_space<vmem_shared>> -> memref<32xf32, #tpu.memory_space<vmem_shared>>
    %dma_wait3A_68 = arith.constant 0 : i32
    %dma_wait3A_69 = tpu.memref_slice %arg7[%dma_wait3A_61, %dma_wait3A_68] : memref<16x32xf32, #tpu.memory_space<vmem>> -> memref<1x32xf32, #tpu.memory_space<vmem>>
    %dma_wait3A_70 = tpu.memref_squeeze %dma_wait3A_69 : memref<1x32xf32, #tpu.memory_space<vmem>> -> memref<32xf32, #tpu.memory_space<vmem>>
    %dma_wait3A_71 = arith.constant 0 : i32
    %dma_wait3A_72 = tpu.memref_slice %arg6[%dma_wait3A_71, %dma_wait3A_60] : memref<32x128xf32, #tpu.memory_space<vmem_shared>> -> memref<32x1xf32, #tpu.memory_space<vmem_shared>>
    %dma_wait3A_73 = tpu.memref_squeeze %dma_wait3A_72 : memref<32x1xf32, #tpu.memory_space<vmem_shared>> -> memref<32xf32, #tpu.memory_space<vmem_shared>>
    tpu.wait_dma2 semaphore(%arg9 : memref<!tpu.dma_semaphore, #tpu.memory_space<semaphore_mem>>) src(%dma_wait3A_73 : memref<32xf32, #tpu.memory_space<vmem_shared>>) dst(%dma_wait3A_70 : memref<32xf32, #tpu.memory_space<vmem>>)
    %dma_wait3A_74 = arith.constant 0 : i32
    %dma_wait3A_75 = arith.constant 4 : i32
    %dma_wait3A_76 = arith.constant 0 : i32
    %dma_wait3A_77 = tpu.memref_slice %arg7[%dma_wait3A_75, %dma_wait3A_76] : memref<16x32xf32, #tpu.memory_space<vmem>> -> memref<1x32xf32, #tpu.memory_space<vmem>>
    %dma_wait3A_78 = tpu.memref_squeeze %dma_wait3A_77 : memref<1x32xf32, #tpu.memory_space<vmem>> -> memref<32xf32, #tpu.memory_space<vmem>>
    %dma_wait3A_79 = arith.constant 0 : i32
    %dma_wait3A_80 = tpu.memref_slice %arg6[%dma_wait3A_79, %dma_wait3A_74] : memref<32x128xf32, #tpu.memory_space<vmem_shared>> -> memref<32x1xf32, #tpu.memory_space<vmem_shared>>
    %dma_wait3A_81 = tpu.memref_squeeze %dma_wait3A_80 : memref<32x1xf32, #tpu.memory_space<vmem_shared>> -> memref<32xf32, #tpu.memory_space<vmem_shared>>
    %dma_wait3A_82 = arith.constant 0 : i32
    %dma_wait3A_83 = tpu.memref_slice %arg7[%dma_wait3A_75, %dma_wait3A_82] : memref<16x32xf32, #tpu.memory_space<vmem>> -> memref<1x32xf32, #tpu.memory_space<vmem>>
    %dma_wait3A_84 = tpu.memref_squeeze %dma_wait3A_83 : memref<1x32xf32, #tpu.memory_space<vmem>> -> memref<32xf32, #tpu.memory_space<vmem>>
    %dma_wait3A_85 = arith.constant 0 : i32
    %dma_wait3A_86 = tpu.memref_slice %arg6[%dma_wait3A_85, %dma_wait3A_74] : memref<32x128xf32, #tpu.memory_space<vmem_shared>> -> memref<32x1xf32, #tpu.memory_space<vmem_shared>>
    %dma_wait3A_87 = tpu.memref_squeeze %dma_wait3A_86 : memref<32x1xf32, #tpu.memory_space<vmem_shared>> -> memref<32xf32, #tpu.memory_space<vmem_shared>>
    tpu.wait_dma2 semaphore(%arg9 : memref<!tpu.dma_semaphore, #tpu.memory_space<semaphore_mem>>) src(%dma_wait3A_87 : memref<32xf32, #tpu.memory_space<vmem_shared>>) dst(%dma_wait3A_84 : memref<32xf32, #tpu.memory_space<vmem>>)
    %dma_wait3A_88 = arith.constant 0 : i32
    %dma_wait3A_89 = arith.constant 5 : i32
    %dma_wait3A_90 = arith.constant 0 : i32
    %dma_wait3A_91 = tpu.memref_slice %arg7[%dma_wait3A_89, %dma_wait3A_90] : memref<16x32xf32, #tpu.memory_space<vmem>> -> memref<1x32xf32, #tpu.memory_space<vmem>>
    %dma_wait3A_92 = tpu.memref_squeeze %dma_wait3A_91 : memref<1x32xf32, #tpu.memory_space<vmem>> -> memref<32xf32, #tpu.memory_space<vmem>>
    %dma_wait3A_93 = arith.constant 0 : i32
    %dma_wait3A_94 = tpu.memref_slice %arg6[%dma_wait3A_93, %dma_wait3A_88] : memref<32x128xf32, #tpu.memory_space<vmem_shared>> -> memref<32x1xf32, #tpu.memory_space<vmem_shared>>
    %dma_wait3A_95 = tpu.memref_squeeze %dma_wait3A_94 : memref<32x1xf32, #tpu.memory_space<vmem_shared>> -> memref<32xf32, #tpu.memory_space<vmem_shared>>
    %dma_wait3A_96 = arith.constant 0 : i32
    %dma_wait3A_97 = tpu.memref_slice %arg7[%dma_wait3A_89, %dma_wait3A_96] : memref<16x32xf32, #tpu.memory_space<vmem>> -> memref<1x32xf32, #tpu.memory_space<vmem>>
    %dma_wait3A_98 = tpu.memref_squeeze %dma_wait3A_97 : memref<1x32xf32, #tpu.memory_space<vmem>> -> memref<32xf32, #tpu.memory_space<vmem>>
    %dma_wait3A_99 = arith.constant 0 : i32
    %dma_wait3A_100 = tpu.memref_slice %arg6[%dma_wait3A_99, %dma_wait3A_88] : memref<32x128xf32, #tpu.memory_space<vmem_shared>> -> memref<32x1xf32, #tpu.memory_space<vmem_shared>>
    %dma_wait3A_101 = tpu.memref_squeeze %dma_wait3A_100 : memref<32x1xf32, #tpu.memory_space<vmem_shared>> -> memref<32xf32, #tpu.memory_space<vmem_shared>>
    tpu.wait_dma2 semaphore(%arg9 : memref<!tpu.dma_semaphore, #tpu.memory_space<semaphore_mem>>) src(%dma_wait3A_101 : memref<32xf32, #tpu.memory_space<vmem_shared>>) dst(%dma_wait3A_98 : memref<32xf32, #tpu.memory_space<vmem>>)
    %dma_wait3A_102 = arith.constant 0 : i32
    %dma_wait3A_103 = arith.constant 6 : i32
    %dma_wait3A_104 = arith.constant 0 : i32
    %dma_wait3A_105 = tpu.memref_slice %arg7[%dma_wait3A_103, %dma_wait3A_104] : memref<16x32xf32, #tpu.memory_space<vmem>> -> memref<1x32xf32, #tpu.memory_space<vmem>>
    %dma_wait3A_106 = tpu.memref_squeeze %dma_wait3A_105 : memref<1x32xf32, #tpu.memory_space<vmem>> -> memref<32xf32, #tpu.memory_space<vmem>>
    %dma_wait3A_107 = arith.constant 0 : i32
    %dma_wait3A_108 = tpu.memref_slice %arg6[%dma_wait3A_107, %dma_wait3A_102] : memref<32x128xf32, #tpu.memory_space<vmem_shared>> -> memref<32x1xf32, #tpu.memory_space<vmem_shared>>
    %dma_wait3A_109 = tpu.memref_squeeze %dma_wait3A_108 : memref<32x1xf32, #tpu.memory_space<vmem_shared>> -> memref<32xf32, #tpu.memory_space<vmem_shared>>
    %dma_wait3A_110 = arith.constant 0 : i32
    %dma_wait3A_111 = tpu.memref_slice %arg7[%dma_wait3A_103, %dma_wait3A_110] : memref<16x32xf32, #tpu.memory_space<vmem>> -> memref<1x32xf32, #tpu.memory_space<vmem>>
    %dma_wait3A_112 = tpu.memref_squeeze %dma_wait3A_111 : memref<1x32xf32, #tpu.memory_space<vmem>> -> memref<32xf32, #tpu.memory_space<vmem>>
    %dma_wait3A_113 = arith.constant 0 : i32
    %dma_wait3A_114 = tpu.memref_slice %arg6[%dma_wait3A_113, %dma_wait3A_102] : memref<32x128xf32, #tpu.memory_space<vmem_shared>> -> memref<32x1xf32, #tpu.memory_space<vmem_shared>>
    %dma_wait3A_115 = tpu.memref_squeeze %dma_wait3A_114 : memref<32x1xf32, #tpu.memory_space<vmem_shared>> -> memref<32xf32, #tpu.memory_space<vmem_shared>>
    tpu.wait_dma2 semaphore(%arg9 : memref<!tpu.dma_semaphore, #tpu.memory_space<semaphore_mem>>) src(%dma_wait3A_115 : memref<32xf32, #tpu.memory_space<vmem_shared>>) dst(%dma_wait3A_112 : memref<32xf32, #tpu.memory_space<vmem>>)
    %dma_wait3A_116 = arith.constant 0 : i32
    %dma_wait3A_117 = arith.constant 7 : i32
    %dma_wait3A_118 = arith.constant 0 : i32
    %dma_wait3A_119 = tpu.memref_slice %arg7[%dma_wait3A_117, %dma_wait3A_118] : memref<16x32xf32, #tpu.memory_space<vmem>> -> memref<1x32xf32, #tpu.memory_space<vmem>>
    %dma_wait3A_120 = tpu.memref_squeeze %dma_wait3A_119 : memref<1x32xf32, #tpu.memory_space<vmem>> -> memref<32xf32, #tpu.memory_space<vmem>>
    %dma_wait3A_121 = arith.constant 0 : i32
    %dma_wait3A_122 = tpu.memref_slice %arg6[%dma_wait3A_121, %dma_wait3A_116] : memref<32x128xf32, #tpu.memory_space<vmem_shared>> -> memref<32x1xf32, #tpu.memory_space<vmem_shared>>
    %dma_wait3A_123 = tpu.memref_squeeze %dma_wait3A_122 : memref<32x1xf32, #tpu.memory_space<vmem_shared>> -> memref<32xf32, #tpu.memory_space<vmem_shared>>
    %dma_wait3A_124 = arith.constant 0 : i32
    %dma_wait3A_125 = tpu.memref_slice %arg7[%dma_wait3A_117, %dma_wait3A_124] : memref<16x32xf32, #tpu.memory_space<vmem>> -> memref<1x32xf32, #tpu.memory_space<vmem>>
    %dma_wait3A_126 = tpu.memref_squeeze %dma_wait3A_125 : memref<1x32xf32, #tpu.memory_space<vmem>> -> memref<32xf32, #tpu.memory_space<vmem>>
    %dma_wait3A_127 = arith.constant 0 : i32
    %dma_wait3A_128 = tpu.memref_slice %arg6[%dma_wait3A_127, %dma_wait3A_116] : memref<32x128xf32, #tpu.memory_space<vmem_shared>> -> memref<32x1xf32, #tpu.memory_space<vmem_shared>>
    %dma_wait3A_129 = tpu.memref_squeeze %dma_wait3A_128 : memref<32x1xf32, #tpu.memory_space<vmem_shared>> -> memref<32xf32, #tpu.memory_space<vmem_shared>>
    tpu.wait_dma2 semaphore(%arg9 : memref<!tpu.dma_semaphore, #tpu.memory_space<semaphore_mem>>) src(%dma_wait3A_129 : memref<32xf32, #tpu.memory_space<vmem_shared>>) dst(%dma_wait3A_126 : memref<32xf32, #tpu.memory_space<vmem>>)
    %dma_wait3A_130 = arith.constant 0 : i32
    %dma_wait3A_131 = arith.constant 8 : i32
    %dma_wait3A_132 = arith.constant 0 : i32
    %dma_wait3A_133 = tpu.memref_slice %arg7[%dma_wait3A_131, %dma_wait3A_132] : memref<16x32xf32, #tpu.memory_space<vmem>> -> memref<1x32xf32, #tpu.memory_space<vmem>>
    %dma_wait3A_134 = tpu.memref_squeeze %dma_wait3A_133 : memref<1x32xf32, #tpu.memory_space<vmem>> -> memref<32xf32, #tpu.memory_space<vmem>>
    %dma_wait3A_135 = arith.constant 0 : i32
    %dma_wait3A_136 = tpu.memref_slice %arg6[%dma_wait3A_135, %dma_wait3A_130] : memref<32x128xf32, #tpu.memory_space<vmem_shared>> -> memref<32x1xf32, #tpu.memory_space<vmem_shared>>
    %dma_wait3A_137 = tpu.memref_squeeze %dma_wait3A_136 : memref<32x1xf32, #tpu.memory_space<vmem_shared>> -> memref<32xf32, #tpu.memory_space<vmem_shared>>
    %dma_wait3A_138 = arith.constant 0 : i32
    %dma_wait3A_139 = tpu.memref_slice %arg7[%dma_wait3A_131, %dma_wait3A_138] : memref<16x32xf32, #tpu.memory_space<vmem>> -> memref<1x32xf32, #tpu.memory_space<vmem>>
    %dma_wait3A_140 = tpu.memref_squeeze %dma_wait3A_139 : memref<1x32xf32, #tpu.memory_space<vmem>> -> memref<32xf32, #tpu.memory_space<vmem>>
    %dma_wait3A_141 = arith.constant 0 : i32
    %dma_wait3A_142 = tpu.memref_slice %arg6[%dma_wait3A_141, %dma_wait3A_130] : memref<32x128xf32, #tpu.memory_space<vmem_shared>> -> memref<32x1xf32, #tpu.memory_space<vmem_shared>>
    %dma_wait3A_143 = tpu.memref_squeeze %dma_wait3A_142 : memref<32x1xf32, #tpu.memory_space<vmem_shared>> -> memref<32xf32, #tpu.memory_space<vmem_shared>>
    tpu.wait_dma2 semaphore(%arg9 : memref<!tpu.dma_semaphore, #tpu.memory_space<semaphore_mem>>) src(%dma_wait3A_143 : memref<32xf32, #tpu.memory_space<vmem_shared>>) dst(%dma_wait3A_140 : memref<32xf32, #tpu.memory_space<vmem>>)
    %dma_wait3A_144 = arith.constant 0 : i32
    %dma_wait3A_145 = arith.constant 9 : i32
    %dma_wait3A_146 = arith.constant 0 : i32
    %dma_wait3A_147 = tpu.memref_slice %arg7[%dma_wait3A_145, %dma_wait3A_146] : memref<16x32xf32, #tpu.memory_space<vmem>> -> memref<1x32xf32, #tpu.memory_space<vmem>>
    %dma_wait3A_148 = tpu.memref_squeeze %dma_wait3A_147 : memref<1x32xf32, #tpu.memory_space<vmem>> -> memref<32xf32, #tpu.memory_space<vmem>>
    %dma_wait3A_149 = arith.constant 0 : i32
    %dma_wait3A_150 = tpu.memref_slice %arg6[%dma_wait3A_149, %dma_wait3A_144] : memref<32x128xf32, #tpu.memory_space<vmem_shared>> -> memref<32x1xf32, #tpu.memory_space<vmem_shared>>
    %dma_wait3A_151 = tpu.memref_squeeze %dma_wait3A_150 : memref<32x1xf32, #tpu.memory_space<vmem_shared>> -> memref<32xf32, #tpu.memory_space<vmem_shared>>
    %dma_wait3A_152 = arith.constant 0 : i32
    %dma_wait3A_153 = tpu.memref_slice %arg7[%dma_wait3A_145, %dma_wait3A_152] : memref<16x32xf32, #tpu.memory_space<vmem>> -> memref<1x32xf32, #tpu.memory_space<vmem>>
    %dma_wait3A_154 = tpu.memref_squeeze %dma_wait3A_153 : memref<1x32xf32, #tpu.memory_space<vmem>> -> memref<32xf32, #tpu.memory_space<vmem>>
    %dma_wait3A_155 = arith.constant 0 : i32
    %dma_wait3A_156 = tpu.memref_slice %arg6[%dma_wait3A_155, %dma_wait3A_144] : memref<32x128xf32, #tpu.memory_space<vmem_shared>> -> memref<32x1xf32, #tpu.memory_space<vmem_shared>>
    %dma_wait3A_157 = tpu.memref_squeeze %dma_wait3A_156 : memref<32x1xf32, #tpu.memory_space<vmem_shared>> -> memref<32xf32, #tpu.memory_space<vmem_shared>>
    tpu.wait_dma2 semaphore(%arg9 : memref<!tpu.dma_semaphore, #tpu.memory_space<semaphore_mem>>) src(%dma_wait3A_157 : memref<32xf32, #tpu.memory_space<vmem_shared>>) dst(%dma_wait3A_154 : memref<32xf32, #tpu.memory_space<vmem>>)
    %dma_wait3A_158 = arith.constant 0 : i32
    %dma_wait3A_159 = arith.constant 10 : i32
    %dma_wait3A_160 = arith.constant 0 : i32
    %dma_wait3A_161 = tpu.memref_slice %arg7[%dma_wait3A_159, %dma_wait3A_160] : memref<16x32xf32, #tpu.memory_space<vmem>> -> memref<1x32xf32, #tpu.memory_space<vmem>>
    %dma_wait3A_162 = tpu.memref_squeeze %dma_wait3A_161 : memref<1x32xf32, #tpu.memory_space<vmem>> -> memref<32xf32, #tpu.memory_space<vmem>>
    %dma_wait3A_163 = arith.constant 0 : i32
    %dma_wait3A_164 = tpu.memref_slice %arg6[%dma_wait3A_163, %dma_wait3A_158] : memref<32x128xf32, #tpu.memory_space<vmem_shared>> -> memref<32x1xf32, #tpu.memory_space<vmem_shared>>
    %dma_wait3A_165 = tpu.memref_squeeze %dma_wait3A_164 : memref<32x1xf32, #tpu.memory_space<vmem_shared>> -> memref<32xf32, #tpu.memory_space<vmem_shared>>
    %dma_wait3A_166 = arith.constant 0 : i32
    %dma_wait3A_167 = tpu.memref_slice %arg7[%dma_wait3A_159, %dma_wait3A_166] : memref<16x32xf32, #tpu.memory_space<vmem>> -> memref<1x32xf32, #tpu.memory_space<vmem>>
    %dma_wait3A_168 = tpu.memref_squeeze %dma_wait3A_167 : memref<1x32xf32, #tpu.memory_space<vmem>> -> memref<32xf32, #tpu.memory_space<vmem>>
    %dma_wait3A_169 = arith.constant 0 : i32
    %dma_wait3A_170 = tpu.memref_slice %arg6[%dma_wait3A_169, %dma_wait3A_158] : memref<32x128xf32, #tpu.memory_space<vmem_shared>> -> memref<32x1xf32, #tpu.memory_space<vmem_shared>>
    %dma_wait3A_171 = tpu.memref_squeeze %dma_wait3A_170 : memref<32x1xf32, #tpu.memory_space<vmem_shared>> -> memref<32xf32, #tpu.memory_space<vmem_shared>>
    tpu.wait_dma2 semaphore(%arg9 : memref<!tpu.dma_semaphore, #tpu.memory_space<semaphore_mem>>) src(%dma_wait3A_171 : memref<32xf32, #tpu.memory_space<vmem_shared>>) dst(%dma_wait3A_168 : memref<32xf32, #tpu.memory_space<vmem>>)
    %dma_wait3A_172 = arith.constant 0 : i32
    %dma_wait3A_173 = arith.constant 11 : i32
    %dma_wait3A_174 = arith.constant 0 : i32
    %dma_wait3A_175 = tpu.memref_slice %arg7[%dma_wait3A_173, %dma_wait3A_174] : memref<16x32xf32, #tpu.memory_space<vmem>> -> memref<1x32xf32, #tpu.memory_space<vmem>>
    %dma_wait3A_176 = tpu.memref_squeeze %dma_wait3A_175 : memref<1x32xf32, #tpu.memory_space<vmem>> -> memref<32xf32, #tpu.memory_space<vmem>>
    %dma_wait3A_177 = arith.constant 0 : i32
    %dma_wait3A_178 = tpu.memref_slice %arg6[%dma_wait3A_177, %dma_wait3A_172] : memref<32x128xf32, #tpu.memory_space<vmem_shared>> -> memref<32x1xf32, #tpu.memory_space<vmem_shared>>
    %dma_wait3A_179 = tpu.memref_squeeze %dma_wait3A_178 : memref<32x1xf32, #tpu.memory_space<vmem_shared>> -> memref<32xf32, #tpu.memory_space<vmem_shared>>
    %dma_wait3A_180 = arith.constant 0 : i32
    %dma_wait3A_181 = tpu.memref_slice %arg7[%dma_wait3A_173, %dma_wait3A_180] : memref<16x32xf32, #tpu.memory_space<vmem>> -> memref<1x32xf32, #tpu.memory_space<vmem>>
    %dma_wait3A_182 = tpu.memref_squeeze %dma_wait3A_181 : memref<1x32xf32, #tpu.memory_space<vmem>> -> memref<32xf32, #tpu.memory_space<vmem>>
    %dma_wait3A_183 = arith.constant 0 : i32
    %dma_wait3A_184 = tpu.memref_slice %arg6[%dma_wait3A_183, %dma_wait3A_172] : memref<32x128xf32, #tpu.memory_space<vmem_shared>> -> memref<32x1xf32, #tpu.memory_space<vmem_shared>>
    %dma_wait3A_185 = tpu.memref_squeeze %dma_wait3A_184 : memref<32x1xf32, #tpu.memory_space<vmem_shared>> -> memref<32xf32, #tpu.memory_space<vmem_shared>>
    tpu.wait_dma2 semaphore(%arg9 : memref<!tpu.dma_semaphore, #tpu.memory_space<semaphore_mem>>) src(%dma_wait3A_185 : memref<32xf32, #tpu.memory_space<vmem_shared>>) dst(%dma_wait3A_182 : memref<32xf32, #tpu.memory_space<vmem>>)
    %dma_wait3A_186 = arith.constant 0 : i32
    %dma_wait3A_187 = arith.constant 12 : i32
    %dma_wait3A_188 = arith.constant 0 : i32
    %dma_wait3A_189 = tpu.memref_slice %arg7[%dma_wait3A_187, %dma_wait3A_188] : memref<16x32xf32, #tpu.memory_space<vmem>> -> memref<1x32xf32, #tpu.memory_space<vmem>>
    %dma_wait3A_190 = tpu.memref_squeeze %dma_wait3A_189 : memref<1x32xf32, #tpu.memory_space<vmem>> -> memref<32xf32, #tpu.memory_space<vmem>>
    %dma_wait3A_191 = arith.constant 0 : i32
    %dma_wait3A_192 = tpu.memref_slice %arg6[%dma_wait3A_191, %dma_wait3A_186] : memref<32x128xf32, #tpu.memory_space<vmem_shared>> -> memref<32x1xf32, #tpu.memory_space<vmem_shared>>
    %dma_wait3A_193 = tpu.memref_squeeze %dma_wait3A_192 : memref<32x1xf32, #tpu.memory_space<vmem_shared>> -> memref<32xf32, #tpu.memory_space<vmem_shared>>
    %dma_wait3A_194 = arith.constant 0 : i32
    %dma_wait3A_195 = tpu.memref_slice %arg7[%dma_wait3A_187, %dma_wait3A_194] : memref<16x32xf32, #tpu.memory_space<vmem>> -> memref<1x32xf32, #tpu.memory_space<vmem>>
    %dma_wait3A_196 = tpu.memref_squeeze %dma_wait3A_195 : memref<1x32xf32, #tpu.memory_space<vmem>> -> memref<32xf32, #tpu.memory_space<vmem>>
    %dma_wait3A_197 = arith.constant 0 : i32
    %dma_wait3A_198 = tpu.memref_slice %arg6[%dma_wait3A_197, %dma_wait3A_186] : memref<32x128xf32, #tpu.memory_space<vmem_shared>> -> memref<32x1xf32, #tpu.memory_space<vmem_shared>>
    %dma_wait3A_199 = tpu.memref_squeeze %dma_wait3A_198 : memref<32x1xf32, #tpu.memory_space<vmem_shared>> -> memref<32xf32, #tpu.memory_space<vmem_shared>>
    tpu.wait_dma2 semaphore(%arg9 : memref<!tpu.dma_semaphore, #tpu.memory_space<semaphore_mem>>) src(%dma_wait3A_199 : memref<32xf32, #tpu.memory_space<vmem_shared>>) dst(%dma_wait3A_196 : memref<32xf32, #tpu.memory_space<vmem>>)
    %dma_wait3A_200 = arith.constant 0 : i32
    %dma_wait3A_201 = arith.constant 13 : i32
    %dma_wait3A_202 = arith.constant 0 : i32
    %dma_wait3A_203 = tpu.memref_slice %arg7[%dma_wait3A_201, %dma_wait3A_202] : memref<16x32xf32, #tpu.memory_space<vmem>> -> memref<1x32xf32, #tpu.memory_space<vmem>>
    %dma_wait3A_204 = tpu.memref_squeeze %dma_wait3A_203 : memref<1x32xf32, #tpu.memory_space<vmem>> -> memref<32xf32, #tpu.memory_space<vmem>>
    %dma_wait3A_205 = arith.constant 0 : i32
    %dma_wait3A_206 = tpu.memref_slice %arg6[%dma_wait3A_205, %dma_wait3A_200] : memref<32x128xf32, #tpu.memory_space<vmem_shared>> -> memref<32x1xf32, #tpu.memory_space<vmem_shared>>
    %dma_wait3A_207 = tpu.memref_squeeze %dma_wait3A_206 : memref<32x1xf32, #tpu.memory_space<vmem_shared>> -> memref<32xf32, #tpu.memory_space<vmem_shared>>
    %dma_wait3A_208 = arith.constant 0 : i32
    %dma_wait3A_209 = tpu.memref_slice %arg7[%dma_wait3A_201, %dma_wait3A_208] : memref<16x32xf32, #tpu.memory_space<vmem>> -> memref<1x32xf32, #tpu.memory_space<vmem>>
    %dma_wait3A_210 = tpu.memref_squeeze %dma_wait3A_209 : memref<1x32xf32, #tpu.memory_space<vmem>> -> memref<32xf32, #tpu.memory_space<vmem>>
    %dma_wait3A_211 = arith.constant 0 : i32
    %dma_wait3A_212 = tpu.memref_slice %arg6[%dma_wait3A_211, %dma_wait3A_200] : memref<32x128xf32, #tpu.memory_space<vmem_shared>> -> memref<32x1xf32, #tpu.memory_space<vmem_shared>>
    %dma_wait3A_213 = tpu.memref_squeeze %dma_wait3A_212 : memref<32x1xf32, #tpu.memory_space<vmem_shared>> -> memref<32xf32, #tpu.memory_space<vmem_shared>>
    tpu.wait_dma2 semaphore(%arg9 : memref<!tpu.dma_semaphore, #tpu.memory_space<semaphore_mem>>) src(%dma_wait3A_213 : memref<32xf32, #tpu.memory_space<vmem_shared>>) dst(%dma_wait3A_210 : memref<32xf32, #tpu.memory_space<vmem>>)
    %dma_wait3A_214 = arith.constant 0 : i32
    %dma_wait3A_215 = arith.constant 14 : i32
    %dma_wait3A_216 = arith.constant 0 : i32
    %dma_wait3A_217 = tpu.memref_slice %arg7[%dma_wait3A_215, %dma_wait3A_216] : memref<16x32xf32, #tpu.memory_space<vmem>> -> memref<1x32xf32, #tpu.memory_space<vmem>>
    %dma_wait3A_218 = tpu.memref_squeeze %dma_wait3A_217 : memref<1x32xf32, #tpu.memory_space<vmem>> -> memref<32xf32, #tpu.memory_space<vmem>>
    %dma_wait3A_219 = arith.constant 0 : i32
    %dma_wait3A_220 = tpu.memref_slice %arg6[%dma_wait3A_219, %dma_wait3A_214] : memref<32x128xf32, #tpu.memory_space<vmem_shared>> -> memref<32x1xf32, #tpu.memory_space<vmem_shared>>
    %dma_wait3A_221 = tpu.memref_squeeze %dma_wait3A_220 : memref<32x1xf32, #tpu.memory_space<vmem_shared>> -> memref<32xf32, #tpu.memory_space<vmem_shared>>
    %dma_wait3A_222 = arith.constant 0 : i32
    %dma_wait3A_223 = tpu.memref_slice %arg7[%dma_wait3A_215, %dma_wait3A_222] : memref<16x32xf32, #tpu.memory_space<vmem>> -> memref<1x32xf32, #tpu.memory_space<vmem>>
    %dma_wait3A_224 = tpu.memref_squeeze %dma_wait3A_223 : memref<1x32xf32, #tpu.memory_space<vmem>> -> memref<32xf32, #tpu.memory_space<vmem>>
    %dma_wait3A_225 = arith.constant 0 : i32
    %dma_wait3A_226 = tpu.memref_slice %arg6[%dma_wait3A_225, %dma_wait3A_214] : memref<32x128xf32, #tpu.memory_space<vmem_shared>> -> memref<32x1xf32, #tpu.memory_space<vmem_shared>>
    %dma_wait3A_227 = tpu.memref_squeeze %dma_wait3A_226 : memref<32x1xf32, #tpu.memory_space<vmem_shared>> -> memref<32xf32, #tpu.memory_space<vmem_shared>>
    tpu.wait_dma2 semaphore(%arg9 : memref<!tpu.dma_semaphore, #tpu.memory_space<semaphore_mem>>) src(%dma_wait3A_227 : memref<32xf32, #tpu.memory_space<vmem_shared>>) dst(%dma_wait3A_224 : memref<32xf32, #tpu.memory_space<vmem>>)
    %dma_wait3A_228 = arith.constant 0 : i32
    %dma_wait3A_229 = arith.constant 15 : i32
    %dma_wait3A_230 = arith.constant 0 : i32
    %dma_wait3A_231 = tpu.memref_slice %arg7[%dma_wait3A_229, %dma_wait3A_230] : memref<16x32xf32, #tpu.memory_space<vmem>> -> memref<1x32xf32, #tpu.memory_space<vmem>>
    %dma_wait3A_232 = tpu.memref_squeeze %dma_wait3A_231 : memref<1x32xf32, #tpu.memory_space<vmem>> -> memref<32xf32, #tpu.memory_space<vmem>>
    %dma_wait3A_233 = arith.constant 0 : i32
    %dma_wait3A_234 = tpu.memref_slice %arg6[%dma_wait3A_233, %dma_wait3A_228] : memref<32x128xf32, #tpu.memory_space<vmem_shared>> -> memref<32x1xf32, #tpu.memory_space<vmem_shared>>
    %dma_wait3A_235 = tpu.memref_squeeze %dma_wait3A_234 : memref<32x1xf32, #tpu.memory_space<vmem_shared>> -> memref<32xf32, #tpu.memory_space<vmem_shared>>
    %dma_wait3A_236 = arith.constant 0 : i32
    %dma_wait3A_237 = tpu.memref_slice %arg7[%dma_wait3A_229, %dma_wait3A_236] : memref<16x32xf32, #tpu.memory_space<vmem>> -> memref<1x32xf32, #tpu.memory_space<vmem>>
    %dma_wait3A_238 = tpu.memref_squeeze %dma_wait3A_237 : memref<1x32xf32, #tpu.memory_space<vmem>> -> memref<32xf32, #tpu.memory_space<vmem>>
    %dma_wait3A_239 = arith.constant 0 : i32
    %dma_wait3A_240 = tpu.memref_slice %arg6[%dma_wait3A_239, %dma_wait3A_228] : memref<32x128xf32, #tpu.memory_space<vmem_shared>> -> memref<32x1xf32, #tpu.memory_space<vmem_shared>>
    %dma_wait3A_241 = tpu.memref_squeeze %dma_wait3A_240 : memref<32x1xf32, #tpu.memory_space<vmem_shared>> -> memref<32xf32, #tpu.memory_space<vmem_shared>>
    tpu.wait_dma2 semaphore(%arg9 : memref<!tpu.dma_semaphore, #tpu.memory_space<semaphore_mem>>) src(%dma_wait3A_241 : memref<32xf32, #tpu.memory_space<vmem_shared>>) dst(%dma_wait3A_238 : memref<32xf32, #tpu.memory_space<vmem>>)
    %convert_element_type3A_242 = arith.extui %lt3A_1 : i1 to i32
    %cond3A_243 = arith.constant 0 : i32
    %cond3A_244 = arith.cmpi ne, %convert_element_type3A_242, %cond3A_243 : i32
    scf.if %cond3A_244 {
      %scan3A = arith.constant 0 : i32
      %scan3A_254 = arith.constant 0 : i32
      %scan3A_255 = arith.constant 16 : i32
      %scan3A_256 = arith.addi %scan3A_254, %scan3A_255 : i32
      %scan3A_257 = arith.constant 1 : i32
      %scan3A_258 = scf.for %scan3A_260 = %scan3A_254 to %scan3A_256 step %scan3A_257 iter_args(%scan3A_261 = %scan3A) -> (i32)  : i32 {
        %get3A = arith.index_cast %scan3A_260 : i32 to index
        %get3A_262 = arith.constant 0 : index
        %get3A_263 = tpu.vector_load %arg7[%get3A, %get3A_262] {strides = array<i32>} : memref<16x32xf32, #tpu.memory_space<vmem>>, vector<1x16xf32>,
        %get3A_264 = vector.shape_cast %get3A_263 : vector<1x16xf32> to vector<16xf32>
        %get3A_265 = arith.index_cast %scan3A_260 : i32 to index
        %get3A_266 = arith.constant 16 : index
        %get3A_267 = tpu.vector_load %arg7[%get3A_265, %get3A_266] {strides = array<i32>} : memref<16x32xf32, #tpu.memory_space<vmem>>, vector<1x16xf32>,
        %get3A_268 = vector.shape_cast %get3A_267 : vector<1x16xf32> to vector<16xf32>
        %scan3A_269 = arith.constant 0 : i32
        %scan3A_270 = arith.constant 0 : i32
        %scan3A_271 = arith.constant 32 : i32
        %scan3A_272 = arith.addi %scan3A_270, %scan3A_271 : i32
        %scan3A_273 = arith.constant 8 : i32
        %scan3A_274 = scf.for %scan3A_276 = %scan3A_270 to %scan3A_272 step %scan3A_273 iter_args(%scan3A_277 = %scan3A_269) -> (i32)  : i32 {
          %mul3A_278 = arith.constant 1024 : i32
          %mul3A_279 = arith.muli %scan3A_260, %mul3A_278 : i32
          %mul3A_280 = arith.constant 32 : i32
          %mul3A_281 = arith.muli %scan3A_276, %mul3A_280 : i32
          %add3A_282 = arith.addi %mul3A_279, %mul3A_281 : i32
          %swap3A = arith.index_cast %add3A_282 : i32 to index
          %swap3A_283 = tpu.vector_load %arg8[%swap3A] {strides = array<i32>} : memref<16384xf32, #tpu.memory_space<vmem>>, vector<16xf32>,
          %swap3A_284 = vector.shape_cast %swap3A_283 : vector<16xf32> to vector<16xf32>
          %swap3A_285 = vector.shape_cast %get3A_264 : vector<16xf32> to vector<16xf32>
          tpu.vector_store %arg8[%swap3A], %swap3A_285 {strides = array<i32>} : memref<16384xf32, #tpu.memory_space<vmem>>, vector<16xf32>,
          %add3A_286 = arith.constant 16 : i32
          %add3A_287 = arith.addi %add3A_282, %add3A_286 : i32
          %swap3A_288 = arith.index_cast %add3A_287 : i32 to index
          %swap3A_289 = tpu.vector_load %arg8[%swap3A_288] {strides = array<i32>} : memref<16384xf32, #tpu.memory_space<vmem>>, vector<16xf32>,
          %swap3A_290 = vector.shape_cast %swap3A_289 : vector<16xf32> to vector<16xf32>
          %swap3A_291 = vector.shape_cast %get3A_268 : vector<16xf32> to vector<16xf32>
          tpu.vector_store %arg8[%swap3A_288], %swap3A_291 {strides = array<i32>} : memref<16384xf32, #tpu.memory_space<vmem>>, vector<16xf32>,
          %scan3A_292 = arith.constant 0 : i32
          %scan3A_293 = arith.constant 1 : i32
          %scan3A_294 = arith.addi %scan3A_276, %scan3A_293 : i32
          %mul3A_295 = arith.constant 1024 : i32
          %mul3A_296 = arith.muli %scan3A_260, %mul3A_295 : i32
          %mul3A_297 = arith.constant 32 : i32
          %mul3A_298 = arith.muli %scan3A_294, %mul3A_297 : i32
          %add3A_299 = arith.addi %mul3A_296, %mul3A_298 : i32
          %swap3A_300 = arith.index_cast %add3A_299 : i32 to index
          %swap3A_301 = tpu.vector_load %arg8[%swap3A_300] {strides = array<i32>} : memref<16384xf32, #tpu.memory_space<vmem>>, vector<16xf32>,
          %swap3A_302 = vector.shape_cast %swap3A_301 : vector<16xf32> to vector<16xf32>
          %swap3A_303 = vector.shape_cast %get3A_264 : vector<16xf32> to vector<16xf32>
          tpu.vector_store %arg8[%swap3A_300], %swap3A_303 {strides = array<i32>} : memref<16384xf32, #tpu.memory_space<vmem>>, vector<16xf32>,
          %add3A_304 = arith.constant 16 : i32
          %add3A_305 = arith.addi %add3A_299, %add3A_304 : i32
          %swap3A_306 = arith.index_cast %add3A_305 : i32 to index
          %swap3A_307 = tpu.vector_load %arg8[%swap3A_306] {strides = array<i32>} : memref<16384xf32, #tpu.memory_space<vmem>>, vector<16xf32>,
          %swap3A_308 = vector.shape_cast %swap3A_307 : vector<16xf32> to vector<16xf32>
          %swap3A_309 = vector.shape_cast %get3A_268 : vector<16xf32> to vector<16xf32>
          tpu.vector_store %arg8[%swap3A_306], %swap3A_309 {strides = array<i32>} : memref<16384xf32, #tpu.memory_space<vmem>>, vector<16xf32>,
          %scan3A_310 = arith.constant 0 : i32
          %scan3A_311 = arith.constant 2 : i32
          %scan3A_312 = arith.addi %scan3A_276, %scan3A_311 : i32
          %mul3A_313 = arith.constant 1024 : i32
          %mul3A_314 = arith.muli %scan3A_260, %mul3A_313 : i32
          %mul3A_315 = arith.constant 32 : i32
          %mul3A_316 = arith.muli %scan3A_312, %mul3A_315 : i32
          %add3A_317 = arith.addi %mul3A_314, %mul3A_316 : i32
          %swap3A_318 = arith.index_cast %add3A_317 : i32 to index
          %swap3A_319 = tpu.vector_load %arg8[%swap3A_318] {strides = array<i32>} : memref<16384xf32, #tpu.memory_space<vmem>>, vector<16xf32>,
          %swap3A_320 = vector.shape_cast %swap3A_319 : vector<16xf32> to vector<16xf32>
          %swap3A_321 = vector.shape_cast %get3A_264 : vector<16xf32> to vector<16xf32>
          tpu.vector_store %arg8[%swap3A_318], %swap3A_321 {strides = array<i32>} : memref<16384xf32, #tpu.memory_space<vmem>>, vector<16xf32>,
          %add3A_322 = arith.constant 16 : i32
          %add3A_323 = arith.addi %add3A_317, %add3A_322 : i32
          %swap3A_324 = arith.index_cast %add3A_323 : i32 to index
          %swap3A_325 = tpu.vector_load %arg8[%swap3A_324] {strides = array<i32>} : memref<16384xf32, #tpu.memory_space<vmem>>, vector<16xf32>,
          %swap3A_326 = vector.shape_cast %swap3A_325 : vector<16xf32> to vector<16xf32>
          %swap3A_327 = vector.shape_cast %get3A_268 : vector<16xf32> to vector<16xf32>
          tpu.vector_store %arg8[%swap3A_324], %swap3A_327 {strides = array<i32>} : memref<16384xf32, #tpu.memory_space<vmem>>, vector<16xf32>,
          %scan3A_328 = arith.constant 0 : i32
          %scan3A_329 = arith.constant 3 : i32
          %scan3A_330 = arith.addi %scan3A_276, %scan3A_329 : i32
          %mul3A_331 = arith.constant 1024 : i32
          %mul3A_332 = arith.muli %scan3A_260, %mul3A_331 : i32
          %mul3A_333 = arith.constant 32 : i32
          %mul3A_334 = arith.muli %scan3A_330, %mul3A_333 : i32
          %add3A_335 = arith.addi %mul3A_332, %mul3A_334 : i32
          %swap3A_336 = arith.index_cast %add3A_335 : i32 to index
          %swap3A_337 = tpu.vector_load %arg8[%swap3A_336] {strides = array<i32>} : memref<16384xf32, #tpu.memory_space<vmem>>, vector<16xf32>,
          %swap3A_338 = vector.shape_cast %swap3A_337 : vector<16xf32> to vector<16xf32>
          %swap3A_339 = vector.shape_cast %get3A_264 : vector<16xf32> to vector<16xf32>
          tpu.vector_store %arg8[%swap3A_336], %swap3A_339 {strides = array<i32>} : memref<16384xf32, #tpu.memory_space<vmem>>, vector<16xf32>,
          %add3A_340 = arith.constant 16 : i32
          %add3A_341 = arith.addi %add3A_335, %add3A_340 : i32
          %swap3A_342 = arith.index_cast %add3A_341 : i32 to index
          %swap3A_343 = tpu.vector_load %arg8[%swap3A_342] {strides = array<i32>} : memref<16384xf32, #tpu.memory_space<vmem>>, vector<16xf32>,
          %swap3A_344 = vector.shape_cast %swap3A_343 : vector<16xf32> to vector<16xf32>
          %swap3A_345 = vector.shape_cast %get3A_268 : vector<16xf32> to vector<16xf32>
          tpu.vector_store %arg8[%swap3A_342], %swap3A_345 {strides = array<i32>} : memref<16384xf32, #tpu.memory_space<vmem>>, vector<16xf32>,
          %scan3A_346 = arith.constant 0 : i32
          %scan3A_347 = arith.constant 4 : i32
          %scan3A_348 = arith.addi %scan3A_276, %scan3A_347 : i32
          %mul3A_349 = arith.constant 1024 : i32
          %mul3A_350 = arith.muli %scan3A_260, %mul3A_349 : i32
          %mul3A_351 = arith.constant 32 : i32
          %mul3A_352 = arith.muli %scan3A_348, %mul3A_351 : i32
          %add3A_353 = arith.addi %mul3A_350, %mul3A_352 : i32
          %swap3A_354 = arith.index_cast %add3A_353 : i32 to index
          %swap3A_355 = tpu.vector_load %arg8[%swap3A_354] {strides = array<i32>} : memref<16384xf32, #tpu.memory_space<vmem>>, vector<16xf32>,
          %swap3A_356 = vector.shape_cast %swap3A_355 : vector<16xf32> to vector<16xf32>
          %swap3A_357 = vector.shape_cast %get3A_264 : vector<16xf32> to vector<16xf32>
          tpu.vector_store %arg8[%swap3A_354], %swap3A_357 {strides = array<i32>} : memref<16384xf32, #tpu.memory_space<vmem>>, vector<16xf32>,
          %add3A_358 = arith.constant 16 : i32
          %add3A_359 = arith.addi %add3A_353, %add3A_358 : i32
          %swap3A_360 = arith.index_cast %add3A_359 : i32 to index
          %swap3A_361 = tpu.vector_load %arg8[%swap3A_360] {strides = array<i32>} : memref<16384xf32, #tpu.memory_space<vmem>>, vector<16xf32>,
          %swap3A_362 = vector.shape_cast %swap3A_361 : vector<16xf32> to vector<16xf32>
          %swap3A_363 = vector.shape_cast %get3A_268 : vector<16xf32> to vector<16xf32>
          tpu.vector_store %arg8[%swap3A_360], %swap3A_363 {strides = array<i32>} : memref<16384xf32, #tpu.memory_space<vmem>>, vector<16xf32>,
          %scan3A_364 = arith.constant 0 : i32
          %scan3A_365 = arith.constant 5 : i32
          %scan3A_366 = arith.addi %scan3A_276, %scan3A_365 : i32
          %mul3A_367 = arith.constant 1024 : i32
          %mul3A_368 = arith.muli %scan3A_260, %mul3A_367 : i32
          %mul3A_369 = arith.constant 32 : i32
          %mul3A_370 = arith.muli %scan3A_366, %mul3A_369 : i32
          %add3A_371 = arith.addi %mul3A_368, %mul3A_370 : i32
          %swap3A_372 = arith.index_cast %add3A_371 : i32 to index
          %swap3A_373 = tpu.vector_load %arg8[%swap3A_372] {strides = array<i32>} : memref<16384xf32, #tpu.memory_space<vmem>>, vector<16xf32>,
          %swap3A_374 = vector.shape_cast %swap3A_373 : vector<16xf32> to vector<16xf32>
          %swap3A_375 = vector.shape_cast %get3A_264 : vector<16xf32> to vector<16xf32>
          tpu.vector_store %arg8[%swap3A_372], %swap3A_375 {strides = array<i32>} : memref<16384xf32, #tpu.memory_space<vmem>>, vector<16xf32>,
          %add3A_376 = arith.constant 16 : i32
          %add3A_377 = arith.addi %add3A_371, %add3A_376 : i32
          %swap3A_378 = arith.index_cast %add3A_377 : i32 to index
          %swap3A_379 = tpu.vector_load %arg8[%swap3A_378] {strides = array<i32>} : memref<16384xf32, #tpu.memory_space<vmem>>, vector<16xf32>,
          %swap3A_380 = vector.shape_cast %swap3A_379 : vector<16xf32> to vector<16xf32>
          %swap3A_381 = vector.shape_cast %get3A_268 : vector<16xf32> to vector<16xf32>
          tpu.vector_store %arg8[%swap3A_378], %swap3A_381 {strides = array<i32>} : memref<16384xf32, #tpu.memory_space<vmem>>, vector<16xf32>,
          %scan3A_382 = arith.constant 0 : i32
          %scan3A_383 = arith.constant 6 : i32
          %scan3A_384 = arith.addi %scan3A_276, %scan3A_383 : i32
          %mul3A_385 = arith.constant 1024 : i32
          %mul3A_386 = arith.muli %scan3A_260, %mul3A_385 : i32
          %mul3A_387 = arith.constant 32 : i32
          %mul3A_388 = arith.muli %scan3A_384, %mul3A_387 : i32
          %add3A_389 = arith.addi %mul3A_386, %mul3A_388 : i32
          %swap3A_390 = arith.index_cast %add3A_389 : i32 to index
          %swap3A_391 = tpu.vector_load %arg8[%swap3A_390] {strides = array<i32>} : memref<16384xf32, #tpu.memory_space<vmem>>, vector<16xf32>,
          %swap3A_392 = vector.shape_cast %swap3A_391 : vector<16xf32> to vector<16xf32>
          %swap3A_393 = vector.shape_cast %get3A_264 : vector<16xf32> to vector<16xf32>
          tpu.vector_store %arg8[%swap3A_390], %swap3A_393 {strides = array<i32>} : memref<16384xf32, #tpu.memory_space<vmem>>, vector<16xf32>,
          %add3A_394 = arith.constant 16 : i32
          %add3A_395 = arith.addi %add3A_389, %add3A_394 : i32
          %swap3A_396 = arith.index_cast %add3A_395 : i32 to index
          %swap3A_397 = tpu.vector_load %arg8[%swap3A_396] {strides = array<i32>} : memref<16384xf32, #tpu.memory_space<vmem>>, vector<16xf32>,
          %swap3A_398 = vector.shape_cast %swap3A_397 : vector<16xf32> to vector<16xf32>
          %swap3A_399 = vector.shape_cast %get3A_268 : vector<16xf32> to vector<16xf32>
          tpu.vector_store %arg8[%swap3A_396], %swap3A_399 {strides = array<i32>} : memref<16384xf32, #tpu.memory_space<vmem>>, vector<16xf32>,
          %scan3A_400 = arith.constant 0 : i32
          %scan3A_401 = arith.constant 7 : i32
          %scan3A_402 = arith.addi %scan3A_276, %scan3A_401 : i32
          %mul3A_403 = arith.constant 1024 : i32
          %mul3A_404 = arith.muli %scan3A_260, %mul3A_403 : i32
          %mul3A_405 = arith.constant 32 : i32
          %mul3A_406 = arith.muli %scan3A_402, %mul3A_405 : i32
          %add3A_407 = arith.addi %mul3A_404, %mul3A_406 : i32
          %swap3A_408 = arith.index_cast %add3A_407 : i32 to index
          %swap3A_409 = tpu.vector_load %arg8[%swap3A_408] {strides = array<i32>} : memref<16384xf32, #tpu.memory_space<vmem>>, vector<16xf32>,
          %swap3A_410 = vector.shape_cast %swap3A_409 : vector<16xf32> to vector<16xf32>
          %swap3A_411 = vector.shape_cast %get3A_264 : vector<16xf32> to vector<16xf32>
          tpu.vector_store %arg8[%swap3A_408], %swap3A_411 {strides = array<i32>} : memref<16384xf32, #tpu.memory_space<vmem>>, vector<16xf32>,
          %add3A_412 = arith.constant 16 : i32
          %add3A_413 = arith.addi %add3A_407, %add3A_412 : i32
          %swap3A_414 = arith.index_cast %add3A_413 : i32 to index
          %swap3A_415 = tpu.vector_load %arg8[%swap3A_414] {strides = array<i32>} : memref<16384xf32, #tpu.memory_space<vmem>>, vector<16xf32>,
          %swap3A_416 = vector.shape_cast %swap3A_415 : vector<16xf32> to vector<16xf32>
          %swap3A_417 = vector.shape_cast %get3A_268 : vector<16xf32> to vector<16xf32>
          tpu.vector_store %arg8[%swap3A_414], %swap3A_417 {strides = array<i32>} : memref<16384xf32, #tpu.memory_space<vmem>>, vector<16xf32>,
          %scan3A_418 = arith.constant 0 : i32
          scf.yield %scan3A_418 : i32
        }
        %scan3A_275 = arith.constant 32 : i32
        scf.yield %scan3A_274 : i32
      }
      %scan3A_259 = arith.constant 16 : i32
    } else {
    }
    %not3A_245 = arith.constant true
    %not3A_246 = arith.xori %lt3A_1, %not3A_245 : i1
    %convert_element_type3A_247 = arith.extui %not3A_246 : i1 to i32
    %cond3A_248 = arith.constant 0 : i32
    %cond3A_249 = arith.cmpi ne, %convert_element_type3A_247, %cond3A_248 : i32
    scf.if %cond3A_249 {
      %scan3A = arith.constant 0 : i32
      %scan3A_254 = arith.constant 0 : i32
      %scan3A_255 = arith.constant 16 : i32
      %scan3A_256 = arith.addi %scan3A_254, %scan3A_255 : i32
      %scan3A_257 = arith.constant 1 : i32
      %scan3A_258 = scf.for %scan3A_260 = %scan3A_254 to %scan3A_256 step %scan3A_257 iter_args(%scan3A_261 = %scan3A) -> (i32)  : i32 {
        %get3A = arith.index_cast %scan3A_260 : i32 to index
        %get3A_262 = arith.constant 0 : index
        %get3A_263 = tpu.vector_load %arg7[%get3A, %get3A_262] {strides = array<i32>} : memref<16x32xf32, #tpu.memory_space<vmem>>, vector<1x16xf32>,
        %get3A_264 = vector.shape_cast %get3A_263 : vector<1x16xf32> to vector<16xf32>
        %get3A_265 = arith.index_cast %scan3A_260 : i32 to index
        %get3A_266 = arith.constant 16 : index
        %get3A_267 = tpu.vector_load %arg7[%get3A_265, %get3A_266] {strides = array<i32>} : memref<16x32xf32, #tpu.memory_space<vmem>>, vector<1x16xf32>,
        %get3A_268 = vector.shape_cast %get3A_267 : vector<1x16xf32> to vector<16xf32>
        %scan3A_269 = arith.constant 0 : i32
        %scan3A_270 = arith.constant 0 : i32
        %scan3A_271 = arith.constant 32 : i32
        %scan3A_272 = arith.addi %scan3A_270, %scan3A_271 : i32
        %scan3A_273 = arith.constant 8 : i32
        %scan3A_274 = scf.for %scan3A_276 = %scan3A_270 to %scan3A_272 step %scan3A_273 iter_args(%scan3A_277 = %scan3A_269) -> (i32)  : i32 {
          %lt3A_278 = arith.constant 16 : i32
          %lt3A_279 = arith.cmpi slt, %scan3A_276, %lt3A_278 : i32
          %select_n3A_280 = arith.select %lt3A_279, %get3A_264, %get3A_268 : vector<16xf32>
          %jit3A = arith.constant 16 : i32
          %eq3A_281 = arith.constant 0 : i32
          %eq3A_282 = arith.cmpi eq, %jit3A, %eq3A_281 : i32
          %jit3A_283 = arith.constant 1 : i32
          %select_n3A_284 = arith.select %eq3A_282, %jit3A_283, %jit3A : i32
          %rem3A = arith.remsi %scan3A_276, %select_n3A_284 : i32
          %ne3A = arith.constant 0 : i32
          %ne3A_285 = arith.cmpi ne, %rem3A, %ne3A : i32
          %lt3A_286 = arith.constant 0 : i32
          %lt3A_287 = arith.cmpi slt, %rem3A, %lt3A_286 : i32
          %lt3A_288 = arith.constant 0 : i32
          %lt3A_289 = arith.cmpi slt, %select_n3A_284, %lt3A_288 : i32
          %ne3A_290 = arith.xori %lt3A_287, %lt3A_289 : i1
          %and3A = arith.andi %ne3A_290, %ne3A_285 : i1
          %add3A_291 = arith.addi %rem3A, %select_n3A_284 : i32
          %select_n3A_292 = arith.select %and3A, %add3A_291, %rem3A : i32
          %broadcast_in_dim3A = vector.broadcast %select_n3A_292 : i32 to vector<16x1xi32>
          %gather3A = vector.shape_cast %broadcast_in_dim3A : vector<16x1xi32> to vector<16xi32>
          %gather3A_293 = tpu.dynamic_gather %select_n3A_280[%gather3A] in [0] : vector<16xf32>, vector<16xi32> -> vector<16xf32>
          %mul3A_294 = arith.constant 1024 : i32
          %mul3A_295 = arith.muli %scan3A_260, %mul3A_294 : i32
          %mul3A_296 = arith.constant 32 : i32
          %mul3A_297 = arith.muli %scan3A_276, %mul3A_296 : i32
          %add3A_298 = arith.addi %mul3A_295, %mul3A_297 : i32
          %swap3A = arith.index_cast %add3A_298 : i32 to index
          %swap3A_299 = tpu.vector_load %arg8[%swap3A] {strides = array<i32>} : memref<16384xf32, #tpu.memory_space<vmem>>, vector<16xf32>,
          %swap3A_300 = vector.shape_cast %swap3A_299 : vector<16xf32> to vector<16xf32>
          %swap3A_301 = vector.shape_cast %gather3A_293 : vector<16xf32> to vector<16xf32>
          tpu.vector_store %arg8[%swap3A], %swap3A_301 {strides = array<i32>} : memref<16384xf32, #tpu.memory_space<vmem>>, vector<16xf32>,
          %add3A_302 = arith.constant 16 : i32
          %add3A_303 = arith.addi %add3A_298, %add3A_302 : i32
          %swap3A_304 = arith.index_cast %add3A_303 : i32 to index
          %swap3A_305 = tpu.vector_load %arg8[%swap3A_304] {strides = array<i32>} : memref<16384xf32, #tpu.memory_space<vmem>>, vector<16xf32>,
          %swap3A_306 = vector.shape_cast %swap3A_305 : vector<16xf32> to vector<16xf32>
          %swap3A_307 = vector.shape_cast %gather3A_293 : vector<16xf32> to vector<16xf32>
          tpu.vector_store %arg8[%swap3A_304], %swap3A_307 {strides = array<i32>} : memref<16384xf32, #tpu.memory_space<vmem>>, vector<16xf32>,
          %scan3A_308 = arith.constant 0 : i32
          %scan3A_309 = arith.constant 1 : i32
          %scan3A_310 = arith.addi %scan3A_276, %scan3A_309 : i32
          %lt3A_311 = arith.constant 16 : i32
          %lt3A_312 = arith.cmpi slt, %scan3A_310, %lt3A_311 : i32
          %select_n3A_313 = arith.select %lt3A_312, %get3A_264, %get3A_268 : vector<16xf32>
          %jit3A_314 = arith.constant 16 : i32
          %eq3A_315 = arith.constant 0 : i32
          %eq3A_316 = arith.cmpi eq, %jit3A_314, %eq3A_315 : i32
          %jit3A_317 = arith.constant 1 : i32
          %select_n3A_318 = arith.select %eq3A_316, %jit3A_317, %jit3A_314 : i32
          %rem3A_319 = arith.remsi %scan3A_310, %select_n3A_318 : i32
          %ne3A_320 = arith.constant 0 : i32
          %ne3A_321 = arith.cmpi ne, %rem3A_319, %ne3A_320 : i32
          %lt3A_322 = arith.constant 0 : i32
          %lt3A_323 = arith.cmpi slt, %rem3A_319, %lt3A_322 : i32
          %lt3A_324 = arith.constant 0 : i32
          %lt3A_325 = arith.cmpi slt, %select_n3A_318, %lt3A_324 : i32
          %ne3A_326 = arith.xori %lt3A_323, %lt3A_325 : i1
          %and3A_327 = arith.andi %ne3A_326, %ne3A_321 : i1
          %add3A_328 = arith.addi %rem3A_319, %select_n3A_318 : i32
          %select_n3A_329 = arith.select %and3A_327, %add3A_328, %rem3A_319 : i32
          %broadcast_in_dim3A_330 = vector.broadcast %select_n3A_329 : i32 to vector<16x1xi32>
          %gather3A_331 = vector.shape_cast %broadcast_in_dim3A_330 : vector<16x1xi32> to vector<16xi32>
          %gather3A_332 = tpu.dynamic_gather %select_n3A_313[%gather3A_331] in [0] : vector<16xf32>, vector<16xi32> -> vector<16xf32>
          %mul3A_333 = arith.constant 1024 : i32
          %mul3A_334 = arith.muli %scan3A_260, %mul3A_333 : i32
          %mul3A_335 = arith.constant 32 : i32
          %mul3A_336 = arith.muli %scan3A_310, %mul3A_335 : i32
          %add3A_337 = arith.addi %mul3A_334, %mul3A_336 : i32
          %swap3A_338 = arith.index_cast %add3A_337 : i32 to index
          %swap3A_339 = tpu.vector_load %arg8[%swap3A_338] {strides = array<i32>} : memref<16384xf32, #tpu.memory_space<vmem>>, vector<16xf32>,
          %swap3A_340 = vector.shape_cast %swap3A_339 : vector<16xf32> to vector<16xf32>
          %swap3A_341 = vector.shape_cast %gather3A_332 : vector<16xf32> to vector<16xf32>
          tpu.vector_store %arg8[%swap3A_338], %swap3A_341 {strides = array<i32>} : memref<16384xf32, #tpu.memory_space<vmem>>, vector<16xf32>,
          %add3A_342 = arith.constant 16 : i32
          %add3A_343 = arith.addi %add3A_337, %add3A_342 : i32
          %swap3A_344 = arith.index_cast %add3A_343 : i32 to index
          %swap3A_345 = tpu.vector_load %arg8[%swap3A_344] {strides = array<i32>} : memref<16384xf32, #tpu.memory_space<vmem>>, vector<16xf32>,
          %swap3A_346 = vector.shape_cast %swap3A_345 : vector<16xf32> to vector<16xf32>
          %swap3A_347 = vector.shape_cast %gather3A_332 : vector<16xf32> to vector<16xf32>
          tpu.vector_store %arg8[%swap3A_344], %swap3A_347 {strides = array<i32>} : memref<16384xf32, #tpu.memory_space<vmem>>, vector<16xf32>,
          %scan3A_348 = arith.constant 0 : i32
          %scan3A_349 = arith.constant 2 : i32
          %scan3A_350 = arith.addi %scan3A_276, %scan3A_349 : i32
          %lt3A_351 = arith.constant 16 : i32
          %lt3A_352 = arith.cmpi slt, %scan3A_350, %lt3A_351 : i32
          %select_n3A_353 = arith.select %lt3A_352, %get3A_264, %get3A_268 : vector<16xf32>
          %jit3A_354 = arith.constant 16 : i32
          %eq3A_355 = arith.constant 0 : i32
          %eq3A_356 = arith.cmpi eq, %jit3A_354, %eq3A_355 : i32
          %jit3A_357 = arith.constant 1 : i32
          %select_n3A_358 = arith.select %eq3A_356, %jit3A_357, %jit3A_354 : i32
          %rem3A_359 = arith.remsi %scan3A_350, %select_n3A_358 : i32
          %ne3A_360 = arith.constant 0 : i32
          %ne3A_361 = arith.cmpi ne, %rem3A_359, %ne3A_360 : i32
          %lt3A_362 = arith.constant 0 : i32
          %lt3A_363 = arith.cmpi slt, %rem3A_359, %lt3A_362 : i32
          %lt3A_364 = arith.constant 0 : i32
          %lt3A_365 = arith.cmpi slt, %select_n3A_358, %lt3A_364 : i32
          %ne3A_366 = arith.xori %lt3A_363, %lt3A_365 : i1
          %and3A_367 = arith.andi %ne3A_366, %ne3A_361 : i1
          %add3A_368 = arith.addi %rem3A_359, %select_n3A_358 : i32
          %select_n3A_369 = arith.select %and3A_367, %add3A_368, %rem3A_359 : i32
          %broadcast_in_dim3A_370 = vector.broadcast %select_n3A_369 : i32 to vector<16x1xi32>
          %gather3A_371 = vector.shape_cast %broadcast_in_dim3A_370 : vector<16x1xi32> to vector<16xi32>
          %gather3A_372 = tpu.dynamic_gather %select_n3A_353[%gather3A_371] in [0] : vector<16xf32>, vector<16xi32> -> vector<16xf32>
          %mul3A_373 = arith.constant 1024 : i32
          %mul3A_374 = arith.muli %scan3A_260, %mul3A_373 : i32
          %mul3A_375 = arith.constant 32 : i32
          %mul3A_376 = arith.muli %scan3A_350, %mul3A_375 : i32
          %add3A_377 = arith.addi %mul3A_374, %mul3A_376 : i32
          %swap3A_378 = arith.index_cast %add3A_377 : i32 to index
          %swap3A_379 = tpu.vector_load %arg8[%swap3A_378] {strides = array<i32>} : memref<16384xf32, #tpu.memory_space<vmem>>, vector<16xf32>,
          %swap3A_380 = vector.shape_cast %swap3A_379 : vector<16xf32> to vector<16xf32>
          %swap3A_381 = vector.shape_cast %gather3A_372 : vector<16xf32> to vector<16xf32>
          tpu.vector_store %arg8[%swap3A_378], %swap3A_381 {strides = array<i32>} : memref<16384xf32, #tpu.memory_space<vmem>>, vector<16xf32>,
          %add3A_382 = arith.constant 16 : i32
          %add3A_383 = arith.addi %add3A_377, %add3A_382 : i32
          %swap3A_384 = arith.index_cast %add3A_383 : i32 to index
          %swap3A_385 = tpu.vector_load %arg8[%swap3A_384] {strides = array<i32>} : memref<16384xf32, #tpu.memory_space<vmem>>, vector<16xf32>,
          %swap3A_386 = vector.shape_cast %swap3A_385 : vector<16xf32> to vector<16xf32>
          %swap3A_387 = vector.shape_cast %gather3A_372 : vector<16xf32> to vector<16xf32>
          tpu.vector_store %arg8[%swap3A_384], %swap3A_387 {strides = array<i32>} : memref<16384xf32, #tpu.memory_space<vmem>>, vector<16xf32>,
          %scan3A_388 = arith.constant 0 : i32
          %scan3A_389 = arith.constant 3 : i32
          %scan3A_390 = arith.addi %scan3A_276, %scan3A_389 : i32
          %lt3A_391 = arith.constant 16 : i32
          %lt3A_392 = arith.cmpi slt, %scan3A_390, %lt3A_391 : i32
          %select_n3A_393 = arith.select %lt3A_392, %get3A_264, %get3A_268 : vector<16xf32>
          %jit3A_394 = arith.constant 16 : i32
          %eq3A_395 = arith.constant 0 : i32
          %eq3A_396 = arith.cmpi eq, %jit3A_394, %eq3A_395 : i32
          %jit3A_397 = arith.constant 1 : i32
          %select_n3A_398 = arith.select %eq3A_396, %jit3A_397, %jit3A_394 : i32
          %rem3A_399 = arith.remsi %scan3A_390, %select_n3A_398 : i32
          %ne3A_400 = arith.constant 0 : i32
          %ne3A_401 = arith.cmpi ne, %rem3A_399, %ne3A_400 : i32
          %lt3A_402 = arith.constant 0 : i32
          %lt3A_403 = arith.cmpi slt, %rem3A_399, %lt3A_402 : i32
          %lt3A_404 = arith.constant 0 : i32
          %lt3A_405 = arith.cmpi slt, %select_n3A_398, %lt3A_404 : i32
          %ne3A_406 = arith.xori %lt3A_403, %lt3A_405 : i1
          %and3A_407 = arith.andi %ne3A_406, %ne3A_401 : i1
          %add3A_408 = arith.addi %rem3A_399, %select_n3A_398 : i32
          %select_n3A_409 = arith.select %and3A_407, %add3A_408, %rem3A_399 : i32
          %broadcast_in_dim3A_410 = vector.broadcast %select_n3A_409 : i32 to vector<16x1xi32>
          %gather3A_411 = vector.shape_cast %broadcast_in_dim3A_410 : vector<16x1xi32> to vector<16xi32>
          %gather3A_412 = tpu.dynamic_gather %select_n3A_393[%gather3A_411] in [0] : vector<16xf32>, vector<16xi32> -> vector<16xf32>
          %mul3A_413 = arith.constant 1024 : i32
          %mul3A_414 = arith.muli %scan3A_260, %mul3A_413 : i32
          %mul3A_415 = arith.constant 32 : i32
          %mul3A_416 = arith.muli %scan3A_390, %mul3A_415 : i32
          %add3A_417 = arith.addi %mul3A_414, %mul3A_416 : i32
          %swap3A_418 = arith.index_cast %add3A_417 : i32 to index
          %swap3A_419 = tpu.vector_load %arg8[%swap3A_418] {strides = array<i32>} : memref<16384xf32, #tpu.memory_space<vmem>>, vector<16xf32>,
          %swap3A_420 = vector.shape_cast %swap3A_419 : vector<16xf32> to vector<16xf32>
          %swap3A_421 = vector.shape_cast %gather3A_412 : vector<16xf32> to vector<16xf32>
          tpu.vector_store %arg8[%swap3A_418], %swap3A_421 {strides = array<i32>} : memref<16384xf32, #tpu.memory_space<vmem>>, vector<16xf32>,
          %add3A_422 = arith.constant 16 : i32
          %add3A_423 = arith.addi %add3A_417, %add3A_422 : i32
          %swap3A_424 = arith.index_cast %add3A_423 : i32 to index
          %swap3A_425 = tpu.vector_load %arg8[%swap3A_424] {strides = array<i32>} : memref<16384xf32, #tpu.memory_space<vmem>>, vector<16xf32>,
          %swap3A_426 = vector.shape_cast %swap3A_425 : vector<16xf32> to vector<16xf32>
          %swap3A_427 = vector.shape_cast %gather3A_412 : vector<16xf32> to vector<16xf32>
          tpu.vector_store %arg8[%swap3A_424], %swap3A_427 {strides = array<i32>} : memref<16384xf32, #tpu.memory_space<vmem>>, vector<16xf32>,
          %scan3A_428 = arith.constant 0 : i32
          %scan3A_429 = arith.constant 4 : i32
          %scan3A_430 = arith.addi %scan3A_276, %scan3A_429 : i32
          %lt3A_431 = arith.constant 16 : i32
          %lt3A_432 = arith.cmpi slt, %scan3A_430, %lt3A_431 : i32
          %select_n3A_433 = arith.select %lt3A_432, %get3A_264, %get3A_268 : vector<16xf32>
          %jit3A_434 = arith.constant 16 : i32
          %eq3A_435 = arith.constant 0 : i32
          %eq3A_436 = arith.cmpi eq, %jit3A_434, %eq3A_435 : i32
          %jit3A_437 = arith.constant 1 : i32
          %select_n3A_438 = arith.select %eq3A_436, %jit3A_437, %jit3A_434 : i32
          %rem3A_439 = arith.remsi %scan3A_430, %select_n3A_438 : i32
          %ne3A_440 = arith.constant 0 : i32
          %ne3A_441 = arith.cmpi ne, %rem3A_439, %ne3A_440 : i32
          %lt3A_442 = arith.constant 0 : i32
          %lt3A_443 = arith.cmpi slt, %rem3A_439, %lt3A_442 : i32
          %lt3A_444 = arith.constant 0 : i32
          %lt3A_445 = arith.cmpi slt, %select_n3A_438, %lt3A_444 : i32
          %ne3A_446 = arith.xori %lt3A_443, %lt3A_445 : i1
          %and3A_447 = arith.andi %ne3A_446, %ne3A_441 : i1
          %add3A_448 = arith.addi %rem3A_439, %select_n3A_438 : i32
          %select_n3A_449 = arith.select %and3A_447, %add3A_448, %rem3A_439 : i32
          %broadcast_in_dim3A_450 = vector.broadcast %select_n3A_449 : i32 to vector<16x1xi32>
          %gather3A_451 = vector.shape_cast %broadcast_in_dim3A_450 : vector<16x1xi32> to vector<16xi32>
          %gather3A_452 = tpu.dynamic_gather %select_n3A_433[%gather3A_451] in [0] : vector<16xf32>, vector<16xi32> -> vector<16xf32>
          %mul3A_453 = arith.constant 1024 : i32
          %mul3A_454 = arith.muli %scan3A_260, %mul3A_453 : i32
          %mul3A_455 = arith.constant 32 : i32
          %mul3A_456 = arith.muli %scan3A_430, %mul3A_455 : i32
          %add3A_457 = arith.addi %mul3A_454, %mul3A_456 : i32
          %swap3A_458 = arith.index_cast %add3A_457 : i32 to index
          %swap3A_459 = tpu.vector_load %arg8[%swap3A_458] {strides = array<i32>} : memref<16384xf32, #tpu.memory_space<vmem>>, vector<16xf32>,
          %swap3A_460 = vector.shape_cast %swap3A_459 : vector<16xf32> to vector<16xf32>
          %swap3A_461 = vector.shape_cast %gather3A_452 : vector<16xf32> to vector<16xf32>
          tpu.vector_store %arg8[%swap3A_458], %swap3A_461 {strides = array<i32>} : memref<16384xf32, #tpu.memory_space<vmem>>, vector<16xf32>,
          %add3A_462 = arith.constant 16 : i32
          %add3A_463 = arith.addi %add3A_457, %add3A_462 : i32
          %swap3A_464 = arith.index_cast %add3A_463 : i32 to index
          %swap3A_465 = tpu.vector_load %arg8[%swap3A_464] {strides = array<i32>} : memref<16384xf32, #tpu.memory_space<vmem>>, vector<16xf32>,
          %swap3A_466 = vector.shape_cast %swap3A_465 : vector<16xf32> to vector<16xf32>
          %swap3A_467 = vector.shape_cast %gather3A_452 : vector<16xf32> to vector<16xf32>
          tpu.vector_store %arg8[%swap3A_464], %swap3A_467 {strides = array<i32>} : memref<16384xf32, #tpu.memory_space<vmem>>, vector<16xf32>,
          %scan3A_468 = arith.constant 0 : i32
          %scan3A_469 = arith.constant 5 : i32
          %scan3A_470 = arith.addi %scan3A_276, %scan3A_469 : i32
          %lt3A_471 = arith.constant 16 : i32
          %lt3A_472 = arith.cmpi slt, %scan3A_470, %lt3A_471 : i32
          %select_n3A_473 = arith.select %lt3A_472, %get3A_264, %get3A_268 : vector<16xf32>
          %jit3A_474 = arith.constant 16 : i32
          %eq3A_475 = arith.constant 0 : i32
          %eq3A_476 = arith.cmpi eq, %jit3A_474, %eq3A_475 : i32
          %jit3A_477 = arith.constant 1 : i32
          %select_n3A_478 = arith.select %eq3A_476, %jit3A_477, %jit3A_474 : i32
          %rem3A_479 = arith.remsi %scan3A_470, %select_n3A_478 : i32
          %ne3A_480 = arith.constant 0 : i32
          %ne3A_481 = arith.cmpi ne, %rem3A_479, %ne3A_480 : i32
          %lt3A_482 = arith.constant 0 : i32
          %lt3A_483 = arith.cmpi slt, %rem3A_479, %lt3A_482 : i32
          %lt3A_484 = arith.constant 0 : i32
          %lt3A_485 = arith.cmpi slt, %select_n3A_478, %lt3A_484 : i32
          %ne3A_486 = arith.xori %lt3A_483, %lt3A_485 : i1
          %and3A_487 = arith.andi %ne3A_486, %ne3A_481 : i1
          %add3A_488 = arith.addi %rem3A_479, %select_n3A_478 : i32
          %select_n3A_489 = arith.select %and3A_487, %add3A_488, %rem3A_479 : i32
          %broadcast_in_dim3A_490 = vector.broadcast %select_n3A_489 : i32 to vector<16x1xi32>
          %gather3A_491 = vector.shape_cast %broadcast_in_dim3A_490 : vector<16x1xi32> to vector<16xi32>
          %gather3A_492 = tpu.dynamic_gather %select_n3A_473[%gather3A_491] in [0] : vector<16xf32>, vector<16xi32> -> vector<16xf32>
          %mul3A_493 = arith.constant 1024 : i32
          %mul3A_494 = arith.muli %scan3A_260, %mul3A_493 : i32
          %mul3A_495 = arith.constant 32 : i32
          %mul3A_496 = arith.muli %scan3A_470, %mul3A_495 : i32
          %add3A_497 = arith.addi %mul3A_494, %mul3A_496 : i32
          %swap3A_498 = arith.index_cast %add3A_497 : i32 to index
          %swap3A_499 = tpu.vector_load %arg8[%swap3A_498] {strides = array<i32>} : memref<16384xf32, #tpu.memory_space<vmem>>, vector<16xf32>,
          %swap3A_500 = vector.shape_cast %swap3A_499 : vector<16xf32> to vector<16xf32>
          %swap3A_501 = vector.shape_cast %gather3A_492 : vector<16xf32> to vector<16xf32>
          tpu.vector_store %arg8[%swap3A_498], %swap3A_501 {strides = array<i32>} : memref<16384xf32, #tpu.memory_space<vmem>>, vector<16xf32>,
          %add3A_502 = arith.constant 16 : i32
          %add3A_503 = arith.addi %add3A_497, %add3A_502 : i32
          %swap3A_504 = arith.index_cast %add3A_503 : i32 to index
          %swap3A_505 = tpu.vector_load %arg8[%swap3A_504] {strides = array<i32>} : memref<16384xf32, #tpu.memory_space<vmem>>, vector<16xf32>,
          %swap3A_506 = vector.shape_cast %swap3A_505 : vector<16xf32> to vector<16xf32>
          %swap3A_507 = vector.shape_cast %gather3A_492 : vector<16xf32> to vector<16xf32>
          tpu.vector_store %arg8[%swap3A_504], %swap3A_507 {strides = array<i32>} : memref<16384xf32, #tpu.memory_space<vmem>>, vector<16xf32>,
          %scan3A_508 = arith.constant 0 : i32
          %scan3A_509 = arith.constant 6 : i32
          %scan3A_510 = arith.addi %scan3A_276, %scan3A_509 : i32
          %lt3A_511 = arith.constant 16 : i32
          %lt3A_512 = arith.cmpi slt, %scan3A_510, %lt3A_511 : i32
          %select_n3A_513 = arith.select %lt3A_512, %get3A_264, %get3A_268 : vector<16xf32>
          %jit3A_514 = arith.constant 16 : i32
          %eq3A_515 = arith.constant 0 : i32
          %eq3A_516 = arith.cmpi eq, %jit3A_514, %eq3A_515 : i32
          %jit3A_517 = arith.constant 1 : i32
          %select_n3A_518 = arith.select %eq3A_516, %jit3A_517, %jit3A_514 : i32
          %rem3A_519 = arith.remsi %scan3A_510, %select_n3A_518 : i32
          %ne3A_520 = arith.constant 0 : i32
          %ne3A_521 = arith.cmpi ne, %rem3A_519, %ne3A_520 : i32
          %lt3A_522 = arith.constant 0 : i32
          %lt3A_523 = arith.cmpi slt, %rem3A_519, %lt3A_522 : i32
          %lt3A_524 = arith.constant 0 : i32
          %lt3A_525 = arith.cmpi slt, %select_n3A_518, %lt3A_524 : i32
          %ne3A_526 = arith.xori %lt3A_523, %lt3A_525 : i1
          %and3A_527 = arith.andi %ne3A_526, %ne3A_521 : i1
          %add3A_528 = arith.addi %rem3A_519, %select_n3A_518 : i32
          %select_n3A_529 = arith.select %and3A_527, %add3A_528, %rem3A_519 : i32
          %broadcast_in_dim3A_530 = vector.broadcast %select_n3A_529 : i32 to vector<16x1xi32>
          %gather3A_531 = vector.shape_cast %broadcast_in_dim3A_530 : vector<16x1xi32> to vector<16xi32>
          %gather3A_532 = tpu.dynamic_gather %select_n3A_513[%gather3A_531] in [0] : vector<16xf32>, vector<16xi32> -> vector<16xf32>
          %mul3A_533 = arith.constant 1024 : i32
          %mul3A_534 = arith.muli %scan3A_260, %mul3A_533 : i32
          %mul3A_535 = arith.constant 32 : i32
          %mul3A_536 = arith.muli %scan3A_510, %mul3A_535 : i32
          %add3A_537 = arith.addi %mul3A_534, %mul3A_536 : i32
          %swap3A_538 = arith.index_cast %add3A_537 : i32 to index
          %swap3A_539 = tpu.vector_load %arg8[%swap3A_538] {strides = array<i32>} : memref<16384xf32, #tpu.memory_space<vmem>>, vector<16xf32>,
          %swap3A_540 = vector.shape_cast %swap3A_539 : vector<16xf32> to vector<16xf32>
          %swap3A_541 = vector.shape_cast %gather3A_532 : vector<16xf32> to vector<16xf32>
          tpu.vector_store %arg8[%swap3A_538], %swap3A_541 {strides = array<i32>} : memref<16384xf32, #tpu.memory_space<vmem>>, vector<16xf32>,
          %add3A_542 = arith.constant 16 : i32
          %add3A_543 = arith.addi %add3A_537, %add3A_542 : i32
          %swap3A_544 = arith.index_cast %add3A_543 : i32 to index
          %swap3A_545 = tpu.vector_load %arg8[%swap3A_544] {strides = array<i32>} : memref<16384xf32, #tpu.memory_space<vmem>>, vector<16xf32>,
          %swap3A_546 = vector.shape_cast %swap3A_545 : vector<16xf32> to vector<16xf32>
          %swap3A_547 = vector.shape_cast %gather3A_532 : vector<16xf32> to vector<16xf32>
          tpu.vector_store %arg8[%swap3A_544], %swap3A_547 {strides = array<i32>} : memref<16384xf32, #tpu.memory_space<vmem>>, vector<16xf32>,
          %scan3A_548 = arith.constant 0 : i32
          %scan3A_549 = arith.constant 7 : i32
          %scan3A_550 = arith.addi %scan3A_276, %scan3A_549 : i32
          %lt3A_551 = arith.constant 16 : i32
          %lt3A_552 = arith.cmpi slt, %scan3A_550, %lt3A_551 : i32
          %select_n3A_553 = arith.select %lt3A_552, %get3A_264, %get3A_268 : vector<16xf32>
          %jit3A_554 = arith.constant 16 : i32
          %eq3A_555 = arith.constant 0 : i32
          %eq3A_556 = arith.cmpi eq, %jit3A_554, %eq3A_555 : i32
          %jit3A_557 = arith.constant 1 : i32
          %select_n3A_558 = arith.select %eq3A_556, %jit3A_557, %jit3A_554 : i32
          %rem3A_559 = arith.remsi %scan3A_550, %select_n3A_558 : i32
          %ne3A_560 = arith.constant 0 : i32
          %ne3A_561 = arith.cmpi ne, %rem3A_559, %ne3A_560 : i32
          %lt3A_562 = arith.constant 0 : i32
          %lt3A_563 = arith.cmpi slt, %rem3A_559, %lt3A_562 : i32
          %lt3A_564 = arith.constant 0 : i32
          %lt3A_565 = arith.cmpi slt, %select_n3A_558, %lt3A_564 : i32
          %ne3A_566 = arith.xori %lt3A_563, %lt3A_565 : i1
          %and3A_567 = arith.andi %ne3A_566, %ne3A_561 : i1
          %add3A_568 = arith.addi %rem3A_559, %select_n3A_558 : i32
          %select_n3A_569 = arith.select %and3A_567, %add3A_568, %rem3A_559 : i32
          %broadcast_in_dim3A_570 = vector.broadcast %select_n3A_569 : i32 to vector<16x1xi32>
          %gather3A_571 = vector.shape_cast %broadcast_in_dim3A_570 : vector<16x1xi32> to vector<16xi32>
          %gather3A_572 = tpu.dynamic_gather %select_n3A_553[%gather3A_571] in [0] : vector<16xf32>, vector<16xi32> -> vector<16xf32>
          %mul3A_573 = arith.constant 1024 : i32
          %mul3A_574 = arith.muli %scan3A_260, %mul3A_573 : i32
          %mul3A_575 = arith.constant 32 : i32
          %mul3A_576 = arith.muli %scan3A_550, %mul3A_575 : i32
          %add3A_577 = arith.addi %mul3A_574, %mul3A_576 : i32
          %swap3A_578 = arith.index_cast %add3A_577 : i32 to index
          %swap3A_579 = tpu.vector_load %arg8[%swap3A_578] {strides = array<i32>} : memref<16384xf32, #tpu.memory_space<vmem>>, vector<16xf32>,
          %swap3A_580 = vector.shape_cast %swap3A_579 : vector<16xf32> to vector<16xf32>
          %swap3A_581 = vector.shape_cast %gather3A_572 : vector<16xf32> to vector<16xf32>
          tpu.vector_store %arg8[%swap3A_578], %swap3A_581 {strides = array<i32>} : memref<16384xf32, #tpu.memory_space<vmem>>, vector<16xf32>,
          %add3A_582 = arith.constant 16 : i32
          %add3A_583 = arith.addi %add3A_577, %add3A_582 : i32
          %swap3A_584 = arith.index_cast %add3A_583 : i32 to index
          %swap3A_585 = tpu.vector_load %arg8[%swap3A_584] {strides = array<i32>} : memref<16384xf32, #tpu.memory_space<vmem>>, vector<16xf32>,
          %swap3A_586 = vector.shape_cast %swap3A_585 : vector<16xf32> to vector<16xf32>
          %swap3A_587 = vector.shape_cast %gather3A_572 : vector<16xf32> to vector<16xf32>
          tpu.vector_store %arg8[%swap3A_584], %swap3A_587 {strides = array<i32>} : memref<16384xf32, #tpu.memory_space<vmem>>, vector<16xf32>,
          %scan3A_588 = arith.constant 0 : i32
          scf.yield %scan3A_588 : i32
        }
        %scan3A_275 = arith.constant 32 : i32
        scf.yield %scan3A_274 : i32
      }
      %scan3A_259 = arith.constant 16 : i32
    } else {
    }
    %mul3A_250 = arith.constant 16 : i32
    %mul3A_251 = arith.muli %add3A, %mul3A_250 : i32
    %mul3A_252 = arith.constant 1024 : i32
    %mul3A_253 = arith.muli %mul3A_251, %mul3A_252 : i32
    "tpu.region"() ({
      %run_scoped3A = tpu.sem_alloc : memref<!tpu.dma_semaphore, #tpu.memory_space<semaphore_mem>>
      %dma_start3A = tpu.memref_slice %arg4[%mul3A_253] : memref<262144xf32, #tpu.memory_space<hbm>> -> memref<16384xf32, #tpu.memory_space<hbm>>
      %dma_start3A_254 = tpu.memref_slice %arg4[%mul3A_253] : memref<262144xf32, #tpu.memory_space<hbm>> -> memref<16384xf32, #tpu.memory_space<hbm>>
      tpu.enqueue_dma source(%arg8 : memref<16384xf32, #tpu.memory_space<vmem>>) target(%dma_start3A_254 : memref<16384xf32, #tpu.memory_space<hbm>>) target_semaphore(%run_scoped3A : memref<!tpu.dma_semaphore, #tpu.memory_space<semaphore_mem>>)
      %dma_wait3A_255 = tpu.memref_slice %arg4[%mul3A_253] : memref<262144xf32, #tpu.memory_space<hbm>> -> memref<16384xf32, #tpu.memory_space<hbm>>
      %dma_wait3A_256 = tpu.memref_slice %arg4[%mul3A_253] : memref<262144xf32, #tpu.memory_space<hbm>> -> memref<16384xf32, #tpu.memory_space<hbm>>
      tpu.wait_dma2 semaphore(%run_scoped3A : memref<!tpu.dma_semaphore, #tpu.memory_space<semaphore_mem>>) src(%arg8 : memref<16384xf32, #tpu.memory_space<vmem>>) dst(%dma_wait3A_256 : memref<16384xf32, #tpu.memory_space<hbm>>)
      tpu.yield
    }) : () -> ()
    return
  }
}

</mosaic_0001>

<sc_bundles>
// kernel: kernel.3.cloned.1.call-start
scs
__scs_entry_jumppad:
0x0: {  	(pc) =	sbr.rel $0x88, $3  }
0x1: {  	(tag) =	ssettag $0x0;
	lr =	simm.s32 $0x1  }
0x2: {  	[smem:$0x3F9F] =	sst lr;
	_ =	strace $0xD0000000  }
0x3: {  	_ = 	snop  }
0x4: {  	_ = 	snop  }
0x5: {  	_ = 	snop  }
0x6: {  	_ = 	snop  }
0x7: {  	_ = 	snop  }
__scs_overlays_trampoline_lowered:
0x8: {  	[smem:$0x3FAE] =	sst s0  }
0x9: {  	[smem:$0x3FAF] =	sst s1  }
0xa: {  	[smem:$0x3FB0] =	sst s2  }
0xb: {  	[smem:$0x3FB1] =	sst s3  }
0xc: {  	[smem:$0x3FB2] =	sst s4  }
0xd: {  	[smem:$0x3FB3] =	sst s5  }
0xe: {  	[smem:$0x3FB4] =	sst s6  }
0xf: {  	[smem:$0x3FB5] =	sst s7  }
0x10: {  	[smem:$0x3FB6] =	sst s8  }
0x11: {  	[smem:$0x3FB7] =	sst s9;
	s0 =	simm.s32 @!p0 $0x0  }
0x12: {  	s1 =	sld [smem:$0x3F9D];
	s0 =	simm.s32 @p0 $0x1  }
0x13: {  	[smem:$0x3FB8] =	sst s0;
	s0 =	simm.s32 @!p1 $0x0  }
0x14: {  	s2 =	sld [smem:$0x3F9C];
	s0 =	simm.s32 @p1 $0x1  }
0x15: {  	[smem:$0x3FB9] =	sst s0;
	s0 =	simm.s32 @!p2 $0x0  }
0x16: {  	s3 =	sld [smem:$0x3FDB];
	s0 =	simm.s32 @p2 $0x1  }
0x17: {  	s4 =	simm.s32 $0x1BF5;
	[smem:$0x3FBB] =	sst s0  }
0x18: {  	s0 =	sld [smem:$0x3F9E];
	_ =	swait.ge [sflag:s4], $0x0  }
0x19: {  	s7 =	sld [smem:$0x3F9F]  }
0x1a: {  	s8 =	sadd.s32 $0xFFFFE003, lr  }
0x1b: {  	s9 =	sadd.s32 $0xFFFFFEF7, lr;
	s5 =	simm.s32 $0xFFFFFFFF;
	p2 =	slt.u32 s8, $0xFFFFF086  }
0x1c: {  	p1 =	slt.u32 s9, $0xF7A;
	s5 =	simm.s32 @!p2 $0x0  }
0x1d: {  	s5 =	simm.s32 @p1 $0x1;
	p0 =	seq.s32 s7, s2  }
0x1e: {  	s7 =	smul.u32 @!p0 $0xF7A, s2;
	p2 =	seq.s32 @!p0 s5, $0x0  }
0x1f: {  	s9 =	smul.u32 $0xF7A, s1;
	s8 =	simm.s32 @!p0 $0x1BF5;
	p2 =	por !p2, p0  }
0x20: {  	[sflag:s8] =	ssyncset.s32 @!p0 $0xFFFFF086;
	s6 =	sadd.s32 @!p0 s3, s7;
	s7 =	simm.s32 @!p0 $0x108  }
0x21: {  	s3 =	sadd.s32 s3, s9;
	s6 =	sadd.s32 @!p0 $0x88, s6;
	s7 =	simm.s32 @p2 $0x1082  }
0x22: {  	[simem:s7], [sflag:s8] =	dma.local @!p0 [hbm:s6], $0xF7A  }
0x23: {  	s9 =	sor.u32 $0xD0000000, s2;
	s6 =	simm.s32 $0x108;
	_ =	swait.ge @!p0 [sflag:s8], $0x0  }
0x24: {  	s3 =	sadd.s32 $0x88, s3;
	s6 =	simm.s32 @!p1 $0x1082;
	[sflag:s4] =	ssyncset.s32 $0xFFFFF086  }
0x25: {  	[simem:s6], [sflag:s4] =	dma.local [hbm:s3], $0xF7A  }
0x26: {  	[smem:$0x3F9F] =	sst s1;
	(tag) =	ssettag s2;
	_ =	strace s9  }
0x27: {  	s1 =	sld [smem:$0x3FAF]  }
0x28: {  	s2 =	sld [smem:$0x3FB0]  }
0x29: {  	s4 =	sld [smem:$0x3FB2]  }
0x2a: {  	p0 =	seq.s32 s5, $0x0;
	s5 =	sld [smem:$0x3FB3]  }
0x2b: {  	s6 =	sld [smem:$0x3FB4]  }
0x2c: {  	s7 =	sld [smem:$0x3FB5]  }
0x2d: {  	s3 =	simm.s32 $0x108;
	s8 =	sld [smem:$0x3FB6]  }
0x2e: {  	s3 =	simm.s32 @!p0 $0x1082;
	s9 =	sld [smem:$0x3FB7]  }
0x2f: {  	lr =	sadd.s32 s0, s3;
	s0 =	sld [smem:$0x3FAE]  }
0x30: {  	s3 =	sld [smem:$0x3FB1]  }
0x31: {  	[smem:$0x3FBA] =	sst s10  }
0x32: {  	s10 =	sld [smem:$0x3FB8];
	_ =	sdelay $0x3  }
0x33: {  	p0 =	seq.s32 s10, $0x1;
	s10 =	sld [smem:$0x3FBA];
	_ =	sdelay $0x3  }
0x34: {  	[smem:$0x3FBA] =	sst s10  }
0x35: {  	s10 =	sld [smem:$0x3FB9];
	_ =	sdelay $0x3  }
0x36: {  	p1 =	seq.s32 s10, $0x1;
	s10 =	sld [smem:$0x3FBA];
	_ =	sdelay $0x3  }
0x37: {  	[smem:$0x3FBA] =	sst s10  }
0x38: {  	s10 =	sld [smem:$0x3FBB]  }
0x39: {  	_ = 	snop;
	(pc) =	sbr.ind lr, $3  }
0x3a: {  	_ = 	snop  }
0x3b: {  	_ = 	snop  }
0x3c: {  	p2 =	seq.s32 s10, $0x1;
	s10 =	sld [smem:$0x3FBA]  }
0x3d: {  	_ =	shalt  }
0x3e: {  	_ =	shalt  }
0x3f: {  	_ =	shalt  }
0x40: {  	_ =	shalt  }
0x41: {  	_ =	shalt  }
0x42: {  	_ =	shalt  }
0x43: {  	_ =	shalt  }
0x44: {  	_ =	shalt  }
0x45: {  	_ =	shalt  }
0x46: {  	_ =	shalt  }
0x47: {  	_ =	shalt  }
0x48: {  	_ =	shalt  }
0x49: {  	_ =	shalt  }
0x4a: {  	_ =	shalt  }
0x4b: {  	_ =	shalt  }
0x4c: {  	_ =	shalt  }
0x4d: {  	_ =	shalt  }
0x4e: {  	_ =	shalt  }
0x4f: {  	_ =	shalt  }
0x50: {  	_ =	shalt  }
0x51: {  	_ =	shalt  }
0x52: {  	_ =	shalt  }
0x53: {  	_ =	shalt  }
0x54: {  	_ =	shalt  }
0x55: {  	_ =	shalt  }
0x56: {  	_ =	shalt  }
0x57: {  	_ =	shalt  }
0x58: {  	_ =	shalt  }
0x59: {  	_ =	shalt  }
0x5a: {  	_ =	shalt  }
0x5b: {  	_ =	shalt  }
0x5c: {  	_ =	shalt  }
0x5d: {  	_ =	shalt  }
0x5e: {  	_ =	shalt  }
0x5f: {  	_ =	shalt  }
0x60: {  	_ =	shalt  }
0x61: {  	_ =	shalt  }
0x62: {  	_ =	shalt  }
0x63: {  	_ =	shalt  }
0x64: {  	_ =	shalt  }
0x65: {  	_ =	shalt  }
0x66: {  	_ =	shalt  }
0x67: {  	_ =	shalt  }
0x68: {  	_ =	shalt  }
0x69: {  	_ =	shalt  }
0x6a: {  	_ =	shalt  }
0x6b: {  	_ =	shalt  }
0x6c: {  	_ =	shalt  }
0x6d: {  	_ =	shalt  }
0x6e: {  	_ =	shalt  }
0x6f: {  	_ =	shalt  }
0x70: {  	_ =	shalt  }
0x71: {  	_ =	shalt  }
0x72: {  	_ =	shalt  }
0x73: {  	_ =	shalt  }
0x74: {  	_ =	shalt  }
0x75: {  	_ =	shalt  }
0x76: {  	_ =	shalt  }
0x77: {  	_ =	shalt  }
0x78: {  	_ =	shalt  }
0x79: {  	_ =	shalt  }
0x7a: {  	_ =	shalt  }
0x7b: {  	_ =	shalt  }
0x7c: {  	_ =	shalt  }
0x7d: {  	_ =	shalt  }
0x7e: {  	_ =	shalt  }
0x7f: {  	_ =	shalt  }
0x80: {  	_ =	shalt  }
0x81: {  	_ =	shalt  }
0x82: {  	_ =	shalt  }
0x83: {  	_ =	shalt  }
0x84: {  	_ =	shalt  }
0x85: {  	_ =	shalt  }
0x86: {  	_ =	shalt  }
0x87: {  	_ =	shalt  }
.Lfunc_end0:
.L_simem_size_0:
called_computation_lowered:
.L_overlay_start_0:
0x88: {  	s0 =	sld [smem:$0x3FD9]  }
0x89: {  	s1 =	sld [smem:$0x3FFE];
	_ =	sdelay $0x3  }
0x8a: {  	s0 =	sadd.s32 s1, s0  }
0x8b: {  	[smem:$0x3FC6] =	sst s0  }
0x8c: {  	_ = 	snop  }
0x8d: {  	s0 =	sld [smem:$0x3FD0];
	(tm) =	ssettm $0x1  }
0x8e: {  	s16 =	sld [smem:$0x3FFB];
	_ =	sdelay $0x3  }
0x8f: {  	_ =	strace s16  }
0x90: {  	s1 =	sld [smem:$0x3FFC];
	_ =	sdelay $0x3  }
0x91: {  	_ =	strace s1  }
0x92: {  	s1 =	sld [smem:$0x3FFD];
	_ =	sdelay $0x3  }
0x93: {  	_ =	strace s1  }
0x94: {  	_ =	strace $0x8FFFFFFF  }
0x95: {  	s17 =	sld [smem:$0x3FDB];
	_ =	sdelay $0x1  }
0x96: {  	s2 =	simm.s32 $_scs_section_size  }
0x97: {  	s3 =	simm.s32 $_size__tile_overlayer_lowered;
	s4 =	simm.s32 $_tile_overlayer_lowered  }
0x98: {  	s20 =	simm.s32 $0x1BFF;
	s19 =	sshll.u32 s4, $0x1;
	s1 =	sadd.s32 s2, s17  }
0x99: {  	s5 =	simm.s32 $0x0;
	s18 =	sshll.u32 s3, $0x1;
	s3 =	sadd.s32 s19, s1  }
0x9a: {  	[timem:s5], [sflag:s20] =	dma.local [hbm:s3], s18  }
0x9b: {  	_ =	swait.ge [sflag:s20], s18  }
0x9c: {  	s2 =	ssub.s32 $0x0, s18;
	[sflag:s20] =	ssyncset.done $0x0  }
0x9d: {  	[sflag:s20] =	ssyncadd.s32 s2;
	_ =	sdelay $0x1  }
0x9e: {  	s21 =	simm.s32 $0x1B8B  }
0x9f: {  	_ =	swait.ge [sflag:s21], $0x1  }
0xa0: {  	[sflag:s21] =	ssyncset.done $0x0  }
0xa1: {  	s23 =	simm.s32 $0x1B8E;
	s22 =	sld [smem:$0x3FFE];
	[sflag:s21] =	ssyncadd.s32 $0xFFFFFFFF  }
0xa2: {  	s24 =	simm.s32 $execute0_lowered;
	[smem:$0x3FD2] =	sst s23  }
0xa3: {  	s3 =	sshll.u32 s24, $0x1;
	_ =	strace $0x80000046;
	[dreg:$0x1] =	wrdreg $0xFFFFFFFF  }
0xa4: {  	s25 =	simm.s32 $_size_execute0_lowered;
	s1 =	sadd.s32 s1, s3;
	[dreg:$0x0] =	wrdreg $0x0  }
0xa5: {  	s3 =	sshll.u32 s25, $0x1;
	[dreg:$0x2] =	wrdreg s1  }
0xa6: {  	[dreg:$0x3] =	wrdreg s3  }
0xa7: {  	[dreg:$0x4] =	wrdreg $0xC0  }
0xa8: {  	_ =	task [dreg:s5], $0x5FFFF  }
0xa9: {  	[dreg:$0x1] =	wrdreg $0xFFFFFFFF  }
0xaa: {  	[dreg:$0x0] =	wrdreg $0x60  }
0xab: {  	[dreg:$0x2] =	wrdreg s22  }
0xac: {  	[dreg:$0x3] =	wrdreg s0  }
0xad: {  	[dreg:$0x4] =	wrdreg $0x1000  }
0xae: {  	[dreg:$0x5] =	wrdreg $0x0  }
0xaf: {  	[dreg:$0x6] =	wrdreg $0x9  }
0xb0: {  	_ =	task.clear_ibuf [dreg:s5], $0x7FFFF;
	_ =	strace $0x90000046  }
0xb1: {  	s26 =	simm.s32 $0x9;
	_ =	strace $0x80000048  }
0xb2: {  	_ =	swait.ge [sflag:s26], $0x1  }
0xb3: {  	[sflag:s26] =	ssyncadd.s32 $0xFFFFFFFF  }
0xb4: {  	_ =	strace $0x90000048  }
0xb5: {  	_ =	sfence  }
0xb6: {  	s28 =	sld [smem:$0x0];
	_ =	sdelay $0x1  }
0xb7: {  	s29 =	srdreg.scid  }
0xb8: {  	s30 =	sshll.u32 s29, $0xD;
	s31 =	sshrl.u32 s29, $0x2  }
0xb9: {  	s2 =	sand.u32 $0x4000, s30;
	s1 =	sand.u32 $0x1, s29;
	s0 =	sadd.s32 s31, s28  }
0xba: {  	s1 =	sor.u32 s2, s1;
	s0 =	sshll.u32 s0, $0x11  }
0xbb: {  	s0 =	sor.u32 s0, s1  }
0xbc: {  	s0 =	sadd.s32 $0x8F2B, s0  }
0xbd: {  	[sflag:s0] =	ssyncadd.remote.s32 $0x1  }
0xbe: {  	_ =	sfence.sel $0xFFFF  }
0xbf: {  	[dreg:$0x0] =	wrdreg $0xFFFFFFFF;
	(pc) =	sbr.abs _section_cstart, $3  }
0xc0: {  	[dreg:$0x1] =	wrdreg $0xFFFFFFFF  }
0xc1: {  	_ =	task.clear_ibuf [dreg:s5], $0x2FFFF;
	_ =	strace $0x9FFFFFFF  }
0xc2: {  	(tm) =	ssettm $0x7FFFFFFF  }
0xc3: {  	_ =	shalt  }
tec
execute0_lowered:
.L_overlay_start_1:
0x0: {  	(tag) =	ssettag $0x1  }
0x1: {  	s11 =	rddreg [dreg:$0x0]  }
0x2: {  	s7 =	rddreg [dreg:$0x1]  }
0x3: {  	s21 =	rddreg [dreg:$0x2]  }
0x4: {  	s20 =	rddreg [dreg:$0x3];
	s24 =	stileid.u32  }
0x5: {  	s23 =	rddreg [dreg:$0x4];
	s3 =	simm.s32 $0x0;
	s22 =	sshll.u32 s24, $0x4  }
0x6: {  	[smem:$0x7FF] =	sst s3;
	s19 =	sadd.s32 s22, s21  }
0x7: {  	p0 =	seq.s32 s24, $0x1;
	_ =	strace $0x80000047;
	s18 =	sadd.s32 $0x1, s19  }
.Ltmp0:
0x8: {  	s17 =	sadd.s32 $0x2, s19;
	s16 =	sadd.s32 $0x3, s19;
	(pc) =	sbr.rel @p0 .LBB2_3-.Ltmp0, $4  }
0x9: {  	s15 =	sadd.s32 $0x4, s19;
	s14 =	sadd.s32 $0x5, s19;
	s13 =	sadd.s32 $0x6, s19  }
0xa: {  	s12 =	sadd.s32 $0x7, s19;
	s10 =	sadd.s32 $0x8, s19;
	s9 =	sadd.s32 $0x9, s19  }
0xb: {  	s8 =	sadd.s32 $0xA, s19;
	s0 =	sadd.s32 $0xB, s19;
	s2 =	sadd.s32 $0xC, s19  }
0xc: {  	s1 =	sadd.s32 $0xD, s19;
	s3 =	sadd.s32 $0xE, s19;
	s6 =	sadd.s32 $0xF, s19  }
0xd: {  	p0 =	sne.s32 s24, $0x0  }
.Ltmp1:
0xe: {  	_ = 	snop;
	(pc) =	sbr.rel @p0 .LBB2_5-.Ltmp1, $1  }
0xf: {  	_ =	sdelay $0x3  }
.Ltmp2:
0x10: {  	(pc) =	sbr.rel .LBB2_4-.Ltmp2, $3  }
0x11: {  	_ =	sdelay $0x1  }
0x12: {  	s11 =	sadd.s32 $0x600, s11;
	s20 =	sshrl.u32 s21, $0x3;
	s31 =	simm.s32 $0x1C02  }
0x13: {  	[spmem:s20], [sflag:s31] =	dma.local [hbm:s11], $0x200  }
.LBB2_3:
0x14: {  	s11 =	sadd.s32 $0x400, s11;
	s20 =	sshrl.u32 s20, $0x3;
	s21 =	simm.s32 $0x1C42  }
0x15: {  	[spmem:s20], [sflag:s21] =	dma.local [hbm:s11], $0x200  }
.LBB2_4:
0x16: {  	s11 =	simm.s32 $0x2  }
.Ltmp3:
0x17: {  	_ =	swait.ge [sflag:s11], $0x200;
	(pc) =	sbr.rel .LBB2_6-.Ltmp3, $4  }
0x18: {  	[sflag:s11] =	ssyncset.done $0x0  }
0x19: {  	[sflag:s11] =	ssyncadd.s32 $0xFFFFFE00  }
0x1a: {  	[bflag:$0x0] =	sbarrier.arrive $0xFFFF  }
0x1b: {  	p0 =	por $0x0, $0x0  }
.LBB2_5:
0x1c: {  	s11 =	sadd.s32 s22, s20  }
0x1d: {  	p1 =	slt.u32 s24, $0x8;
	p0 =	por $0x0, $0x0;
	[bflag:$0x0] =	sbarrier.arrive $0xFFFF  }
0x1e: {  	s20 =	sadd.s32 $0xFFFFFF80, s11;
	s21 =	sadd.s32 $0xFFFFFF81, s11;
	s22 =	sadd.s32 $0xFFFFFF82, s11  }
0x1f: {  	s23 =	sadd.s32 $0xFFFFFF83, s11;
	s24 =	sadd.s32 $0xFFFFFF84, s11;
	s25 =	sadd.s32 $0xFFFFFF85, s11  }
0x20: {  	s26 =	sadd.s32 $0xFFFFFF86, s11;
	s28 =	sadd.s32 $0xFFFFFF87, s11;
	s29 =	sadd.s32 $0xFFFFFF88, s11  }
0x21: {  	s30 =	sadd.s32 $0xFFFFFF89, s11;
	s31 =	sadd.s32 $0xFFFFFF8A, s11;
	s7 =	sadd.s32 $0xFFFFFF8B, s11  }
0x22: {  	s5 =	sadd.s32 $0xFFFFFF8D, s11;
	s4 =	sadd.s32 $0xFFFFFF8E, s11;
	p2 =	por @!p1 $0x1, $0x1  }
0x23: {  	s20 =	smov.u32 @p1 s19;
	s21 =	smov.u32 @p1 s18;
	s22 =	smov.u32 @p1 s17  }
0x24: {  	s23 =	smov.u32 @p1 s16;
	s24 =	smov.u32 @p1 s15;
	s25 =	smov.u32 @p1 s14  }
0x25: {  	s26 =	smov.u32 @p1 s13;
	s28 =	smov.u32 @p1 s12;
	s29 =	smov.u32 @p1 s10  }
0x26: {  	s30 =	smov.u32 @p1 s9;
	s31 =	smov.u32 @p1 s8;
	s8 =	smov.u32 s6  }
0x27: {  	s6 =	sadd.s32 $0xFFFFFF8C, s11;
	s7 =	smov.u32 @p1 s0;
	s5 =	smov.u32 @p1 s1  }
0x28: {  	s4 =	smov.u32 @p1 s3;
	s11 =	sadd.s32 $0xFFFFFF8F, s11;
	p0 =	por @!p1 p2, p2  }
0x29: {  	s6 =	smov.u32 @p1 s2;
	s11 =	smov.u32 @p1 s8;
	s19 =	smov.u32 s20  }
0x2a: {  	s18 =	smov.u32 s21;
	s17 =	smov.u32 s22;
	s16 =	smov.u32 s23  }
0x2b: {  	s23 =	rddreg [dreg:$0x4];
	s15 =	smov.u32 s24;
	s24 =	stileid.u32  }
0x2c: {  	s14 =	smov.u32 s25;
	s13 =	smov.u32 s26;
	s12 =	smov.u32 s28  }
0x2d: {  	s10 =	smov.u32 s29;
	s9 =	smov.u32 s30;
	s8 =	smov.u32 s31  }
0x2e: {  	s0 =	smov.u32 s7;
	s7 =	rddreg [dreg:$0x1];
	s1 =	smov.u32 s5  }
0x2f: {  	s3 =	smov.u32 s4;
	s2 =	smov.u32 s6;
	s6 =	smov.u32 s11  }
.LBB2_6:
0x30: {  	s11 =	simm.s32 $0x1;
	s4 =	simm.s32 $0x80;
	s5 =	simm.s32 $0x200  }
0x31: {  	[tilespmem:s5], [sflag:$0x1] =	stream.strided.gather [spmem:s19], $0x20, s4, s11, $0x38;
	[tilespmem:$0x4A00] =	vst v63  }
0x32: {  	s29 =	simm.s32 $0x280  }
0x33: {  	[tilespmem:s29], [sflag:$0x1] =	stream.strided.gather [spmem:s18], $0x20, s4, s11, $0x38;
	[tilespmem:$0x4A00] =	vst v63  }
0x34: {  	s30 =	simm.s32 $0x300  }
0x35: {  	[tilespmem:s30], [sflag:$0x1] =	stream.strided.gather [spmem:s17], $0x20, s4, s11, $0x38;
	[tilespmem:$0x4A00] =	vst v63  }
0x36: {  	s31 =	simm.s32 $0x380  }
0x37: {  	[tilespmem:s31], [sflag:$0x1] =	stream.strided.gather [spmem:s16], $0x20, s4, s11, $0x38;
	[tilespmem:$0x4A00] =	vst v63  }
0x38: {  	s17 =	simm.s32 $0x400  }
0x39: {  	[tilespmem:s17], [sflag:$0x1] =	stream.strided.gather [spmem:s15], $0x20, s4, s11, $0x38;
	[tilespmem:$0x4A00] =	vst v63  }
0x3a: {  	s18 =	simm.s32 $0x480  }
0x3b: {  	[tilespmem:s18], [sflag:$0x1] =	stream.strided.gather [spmem:s14], $0x20, s4, s11, $0x38;
	[tilespmem:$0x4A00] =	vst v63  }
0x3c: {  	s19 =	simm.s32 $0x500  }
0x3d: {  	[tilespmem:s19], [sflag:$0x1] =	stream.strided.gather [spmem:s13], $0x20, s4, s11, $0x38;
	[tilespmem:$0x4A00] =	vst v63  }
0x3e: {  	s20 =	simm.s32 $0x580  }
0x3f: {  	[tilespmem:s20], [sflag:$0x1] =	stream.strided.gather [spmem:s12], $0x20, s4, s11, $0x38;
	[tilespmem:$0x4A00] =	vst v63  }
0x40: {  	s21 =	simm.s32 $0x600  }
0x41: {  	[tilespmem:s21], [sflag:$0x1] =	stream.strided.gather [spmem:s10], $0x20, s4, s11, $0x38;
	[tilespmem:$0x4A00] =	vst v63  }
0x42: {  	s22 =	simm.s32 $0x680  }
0x43: {  	[tilespmem:s22], [sflag:$0x1] =	stream.strided.gather [spmem:s9], $0x20, s4, s11, $0x38;
	[tilespmem:$0x4A00] =	vst v63  }
0x44: {  	s25 =	simm.s32 $0x700  }
0x45: {  	[tilespmem:s25], [sflag:$0x1] =	stream.strided.gather [spmem:s8], $0x20, s4, s11, $0x38;
	[tilespmem:$0x4A00] =	vst v63  }
0x46: {  	s26 =	simm.s32 $0x780  }
0x47: {  	[tilespmem:s26], [sflag:$0x1] =	stream.strided.gather [spmem:s0], $0x20, s4, s11, $0x38;
	[tilespmem:$0x4A00] =	vst v63  }
0x48: {  	s28 =	simm.s32 $0x800  }
0x49: {  	[tilespmem:s28], [sflag:$0x1] =	stream.strided.gather [spmem:s2], $0x20, s4, s11, $0x38;
	[tilespmem:$0x4A00] =	vst v63  }
0x4a: {  	s29 =	simm.s32 $0x880  }
0x4b: {  	[tilespmem:s29], [sflag:$0x1] =	stream.strided.gather [spmem:s1], $0x20, s4, s11, $0x38;
	[tilespmem:$0x4A00] =	vst v63  }
0x4c: {  	s30 =	simm.s32 $0x900  }
0x4d: {  	[tilespmem:s30], [sflag:$0x1] =	stream.strided.gather [spmem:s3], $0x20, s4, s11, $0x38;
	[tilespmem:$0x4A00] =	vst v63  }
0x4e: {  	s31 =	simm.s32 $0x980  }
0x4f: {  	[tilespmem:s31], [sflag:$0x1] =	stream.strided.gather [spmem:s6], $0x20, s4, s11, $0x38;
	[tilespmem:$0x4A00] =	vst v63  }
0x50: {  	_ =	swait.ge [sflag:s11], $0x20  }
0x51: {  	[sflag:s11] =	ssyncset.done $0x0  }
0x52: {  	[sflag:s11] =	ssyncadd.s32 $0xFFFFFFE0  }
0x53: {  	_ =	swait.ge [sflag:s11], $0x20  }
0x54: {  	[sflag:s11] =	ssyncset.done $0x0  }
0x55: {  	[sflag:s11] =	ssyncadd.s32 $0xFFFFFFE0  }
0x56: {  	_ =	swait.ge [sflag:s11], $0x20  }
0x57: {  	[sflag:s11] =	ssyncset.done $0x0  }
0x58: {  	[sflag:s11] =	ssyncadd.s32 $0xFFFFFFE0  }
0x59: {  	_ =	swait.ge [sflag:s11], $0x20  }
0x5a: {  	[sflag:s11] =	ssyncset.done $0x0  }
0x5b: {  	[sflag:s11] =	ssyncadd.s32 $0xFFFFFFE0  }
0x5c: {  	_ =	swait.ge [sflag:s11], $0x20  }
0x5d: {  	[sflag:s11] =	ssyncset.done $0x0  }
0x5e: {  	[sflag:s11] =	ssyncadd.s32 $0xFFFFFFE0  }
0x5f: {  	_ =	swait.ge [sflag:s11], $0x20  }
0x60: {  	[sflag:s11] =	ssyncset.done $0x0  }
0x61: {  	[sflag:s11] =	ssyncadd.s32 $0xFFFFFFE0  }
0x62: {  	_ =	swait.ge [sflag:s11], $0x20  }
0x63: {  	[sflag:s11] =	ssyncset.done $0x0  }
0x64: {  	[sflag:s11] =	ssyncadd.s32 $0xFFFFFFE0  }
0x65: {  	_ =	swait.ge [sflag:s11], $0x20  }
0x66: {  	[sflag:s11] =	ssyncset.done $0x0  }
0x67: {  	[sflag:s11] =	ssyncadd.s32 $0xFFFFFFE0  }
0x68: {  	_ =	swait.ge [sflag:s11], $0x20  }
0x69: {  	[sflag:s11] =	ssyncset.done $0x0  }
0x6a: {  	[sflag:s11] =	ssyncadd.s32 $0xFFFFFFE0  }
0x6b: {  	_ =	swait.ge [sflag:s11], $0x20  }
0x6c: {  	[sflag:s11] =	ssyncset.done $0x0  }
0x6d: {  	[sflag:s11] =	ssyncadd.s32 $0xFFFFFFE0  }
0x6e: {  	_ =	swait.ge [sflag:s11], $0x20  }
0x6f: {  	[sflag:s11] =	ssyncset.done $0x0  }
0x70: {  	[sflag:s11] =	ssyncadd.s32 $0xFFFFFFE0  }
0x71: {  	_ =	swait.ge [sflag:s11], $0x20  }
0x72: {  	[sflag:s11] =	ssyncset.done $0x0  }
0x73: {  	[sflag:s11] =	ssyncadd.s32 $0xFFFFFFE0  }
0x74: {  	_ =	swait.ge [sflag:s11], $0x20  }
0x75: {  	[sflag:s11] =	ssyncset.done $0x0  }
0x76: {  	[sflag:s11] =	ssyncadd.s32 $0xFFFFFFE0  }
0x77: {  	_ =	swait.ge [sflag:s11], $0x20  }
0x78: {  	[sflag:s11] =	ssyncset.done $0x0  }
0x79: {  	[sflag:s11] =	ssyncadd.s32 $0xFFFFFFE0  }
0x7a: {  	p1 =	sgt.u32 s24, $0x7;
	_ =	swait.ge [sflag:s11], $0x20  }
.Ltmp4:
0x7b: {  	[sflag:s11] =	ssyncset.done $0x0;
	(pc) =	sbr.rel @p1 .LBB2_10-.Ltmp4, $4  }
0x7c: {  	[sflag:s11] =	ssyncadd.s32 $0xFFFFFFE0  }
0x7d: {  	_ =	swait.ge [sflag:s11], $0x20  }
0x7e: {  	[sflag:s11] =	ssyncset.done $0x0  }
0x7f: {  	s3 =	sshll.u32 s24, $0xB;
	[sflag:s11] =	ssyncadd.s32 $0xFFFFFFE0  }
0x80: {  	s0 =	simm.s32 $0x0  }
0x81: {  	v0 =	vld [tilespmem:s0+$0x210];
	_ =	sdelay $0x3  }
0x82: {  	s4 =	simm.s32 $0xC00  }
0x83: {  	v1 =	vld [tilespmem:s0+$0x200];
	[tilespmem:s4+$0x1B0] =	vst v0  }
0x84: {  	[tilespmem:s4+$0xFFFFFEB0] =	vst v0  }
0x85: {  	[tilespmem:s4+$0xFFFFFE90] =	vst v0  }
0x86: {  	[tilespmem:s4+$0xFFFFFE70] =	vst v0  }
0x87: {  	[tilespmem:s4+$0xFFFFFE50] =	vst v0  }
0x88: {  	[tilespmem:s4+$0xFFFFFEC0] =	vst v1  }
0x89: {  	[tilespmem:s4+$0xFFFFFEA0] =	vst v1  }
0x8a: {  	[tilespmem:s4+$0xFFFFFE80] =	vst v1  }
0x8b: {  	[tilespmem:s4+$0xFFFFFE60] =	vst v1  }
0x8c: {  	[tilespmem:s4+$0xFFFFFE40] =	vst v1  }
0x8d: {  	[tilespmem:s4+$0xFFFFFE30] =	vst v0  }
0x8e: {  	[tilespmem:s4+$0xFFFFFE20] =	vst v1  }
0x8f: {  	[tilespmem:s4+$0xFFFFFE10] =	vst v0  }
0x90: {  	[tilespmem:s4+$0xFFFFFE00] =	vst v1  }
0x91: {  	[tilespmem:s4+$0x1C0] =	vst v1  }
0x92: {  	[tilespmem:s4+$0x1A0] =	vst v1  }
0x93: {  	[tilespmem:s4+$0x190] =	vst v0  }
0x94: {  	[tilespmem:s4+$0x180] =	vst v1  }
0x95: {  	[tilespmem:s4+$0x170] =	vst v0  }
0x96: {  	[tilespmem:s4+$0x160] =	vst v1  }
0x97: {  	[tilespmem:s4+$0x150] =	vst v0  }
0x98: {  	[tilespmem:s4+$0x140] =	vst v1  }
0x99: {  	[tilespmem:s4+$0x130] =	vst v0  }
0x9a: {  	[tilespmem:s4+$0x120] =	vst v1  }
0x9b: {  	[tilespmem:s4+$0x110] =	vst v0  }
0x9c: {  	[tilespmem:s4+$0x100] =	vst v1  }
0x9d: {  	[tilespmem:s4+$0xF0] =	vst v0  }
0x9e: {  	[tilespmem:s4+$0xE0] =	vst v1  }
0x9f: {  	[tilespmem:s4+$0xD0] =	vst v0  }
0xa0: {  	[tilespmem:s4+$0xC0] =	vst v1  }
0xa1: {  	[tilespmem:s4+$0xB0] =	vst v0  }
0xa2: {  	[tilespmem:s4+$0xA0] =	vst v1  }
0xa3: {  	[tilespmem:s4+$0x90] =	vst v0  }
0xa4: {  	[tilespmem:s4+$0x80] =	vst v1  }
0xa5: {  	[tilespmem:s4+$0x70] =	vst v0  }
0xa6: {  	[tilespmem:s4+$0x60] =	vst v1  }
0xa7: {  	[tilespmem:s4+$0x50] =	vst v0  }
0xa8: {  	[tilespmem:s4+$0x40] =	vst v1  }
0xa9: {  	[tilespmem:s4+$0x30] =	vst v0  }
0xaa: {  	[tilespmem:s4+$0x20] =	vst v1  }
0xab: {  	[tilespmem:s4+$0x10] =	vst v0  }
0xac: {  	[tilespmem:s4+$0x0] =	vst v1  }
0xad: {  	[tilespmem:s4+$0xFFFFFFF0] =	vst v0  }
0xae: {  	[tilespmem:s4+$0xFFFFFFE0] =	vst v1  }
0xaf: {  	[tilespmem:s4+$0xFFFFFFD0] =	vst v0  }
0xb0: {  	[tilespmem:s4+$0xFFFFFFC0] =	vst v1  }
0xb1: {  	[tilespmem:s4+$0xFFFFFFB0] =	vst v0  }
0xb2: {  	[tilespmem:s4+$0xFFFFFFA0] =	vst v1  }
0xb3: {  	[tilespmem:s4+$0xFFFFFF90] =	vst v0  }
0xb4: {  	[tilespmem:s4+$0xFFFFFF80] =	vst v1  }
0xb5: {  	[tilespmem:s4+$0xFFFFFF70] =	vst v0  }
0xb6: {  	[tilespmem:s4+$0xFFFFFF60] =	vst v1  }
0xb7: {  	[tilespmem:s4+$0xFFFFFF50] =	vst v0  }
0xb8: {  	[tilespmem:s4+$0xFFFFFF40] =	vst v1  }
0xb9: {  	[tilespmem:s4+$0xFFFFFF30] =	vst v0  }
0xba: {  	[tilespmem:s4+$0xFFFFFF20] =	vst v1  }
0xbb: {  	[tilespmem:s4+$0xFFFFFF10] =	vst v0  }
0xbc: {  	[tilespmem:s4+$0xFFFFFF00] =	vst v1  }
0xbd: {  	[tilespmem:s4+$0xFFFFFEF0] =	vst v0  }
0xbe: {  	[tilespmem:s4+$0xFFFFFEE0] =	vst v1  }
0xbf: {  	[tilespmem:s4+$0xFFFFFED0] =	vst v0  }
0xc0: {  	[tilespmem:s4+$0x1D0] =	vst v0  }
0xc1: {  	[tilespmem:s4+$0x1E0] =	vst v1  }
0xc2: {  	s6 =	simm.s32 $0x80;
	s5 =	simm.s32 $0x400;
	[tilespmem:s4+$0x1F0] =	vst v0  }
.LBB2_8:
0xc3: {  	p1 =	sne.s32 s5, $0x1E00;
	v0 =	vld [tilespmem:s6+$0x210];
	_ =	sdelay $0x3  }
0xc4: {  	s4 =	sadd.s32 $0x400, s4  }
0xc5: {  	v1 =	vld [tilespmem:s6+$0x200];
	[tilespmem:s4+$0x1B0] =	vst v0  }
0xc6: {  	[tilespmem:s4+$0xFFFFFEB0] =	vst v0  }
0xc7: {  	[tilespmem:s4+$0xFFFFFE90] =	vst v0  }
0xc8: {  	[tilespmem:s4+$0xFFFFFE70] =	vst v0  }
0xc9: {  	[tilespmem:s4+$0xFFFFFE50] =	vst v0  }
0xca: {  	[tilespmem:s4+$0xFFFFFEC0] =	vst v1  }
0xcb: {  	[tilespmem:s4+$0xFFFFFEA0] =	vst v1  }
0xcc: {  	[tilespmem:s4+$0xFFFFFE80] =	vst v1  }
0xcd: {  	[tilespmem:s4+$0xFFFFFE60] =	vst v1  }
0xce: {  	[tilespmem:s4+$0xFFFFFE40] =	vst v1  }
0xcf: {  	[tilespmem:s4+$0xFFFFFE30] =	vst v0  }
0xd0: {  	[tilespmem:s4+$0xFFFFFE20] =	vst v1  }
0xd1: {  	[tilespmem:s4+$0xFFFFFE10] =	vst v0  }
0xd2: {  	[tilespmem:s4+$0xFFFFFE00] =	vst v1  }
0xd3: {  	[tilespmem:s4+$0x1C0] =	vst v1  }
0xd4: {  	[tilespmem:s4+$0x1A0] =	vst v1  }
0xd5: {  	[tilespmem:s4+$0x190] =	vst v0  }
0xd6: {  	[tilespmem:s4+$0x180] =	vst v1  }
0xd7: {  	[tilespmem:s4+$0x170] =	vst v0  }
0xd8: {  	[tilespmem:s4+$0x160] =	vst v1  }
0xd9: {  	[tilespmem:s4+$0x150] =	vst v0  }
0xda: {  	[tilespmem:s4+$0x140] =	vst v1  }
0xdb: {  	[tilespmem:s4+$0x130] =	vst v0  }
0xdc: {  	[tilespmem:s4+$0x120] =	vst v1  }
0xdd: {  	[tilespmem:s4+$0x110] =	vst v0  }
0xde: {  	[tilespmem:s4+$0x100] =	vst v1  }
0xdf: {  	[tilespmem:s4+$0xF0] =	vst v0  }
0xe0: {  	[tilespmem:s4+$0xE0] =	vst v1  }
0xe1: {  	[tilespmem:s4+$0xD0] =	vst v0  }
0xe2: {  	[tilespmem:s4+$0xC0] =	vst v1  }
0xe3: {  	[tilespmem:s4+$0xB0] =	vst v0  }
0xe4: {  	[tilespmem:s4+$0xA0] =	vst v1  }
0xe5: {  	[tilespmem:s4+$0x90] =	vst v0  }
0xe6: {  	[tilespmem:s4+$0x80] =	vst v1  }
0xe7: {  	[tilespmem:s4+$0x70] =	vst v0  }
0xe8: {  	[tilespmem:s4+$0x60] =	vst v1  }
0xe9: {  	[tilespmem:s4+$0x50] =	vst v0  }
0xea: {  	[tilespmem:s4+$0x40] =	vst v1  }
0xeb: {  	[tilespmem:s4+$0x30] =	vst v0  }
0xec: {  	[tilespmem:s4+$0x20] =	vst v1  }
0xed: {  	[tilespmem:s4+$0x10] =	vst v0  }
0xee: {  	[tilespmem:s4+$0x0] =	vst v1  }
0xef: {  	[tilespmem:s4+$0xFFFFFFF0] =	vst v0  }
0xf0: {  	[tilespmem:s4+$0xFFFFFFE0] =	vst v1  }
0xf1: {  	[tilespmem:s4+$0xFFFFFFD0] =	vst v0  }
0xf2: {  	[tilespmem:s4+$0xFFFFFFC0] =	vst v1  }
0xf3: {  	[tilespmem:s4+$0xFFFFFFB0] =	vst v0  }
0xf4: {  	[tilespmem:s4+$0xFFFFFFA0] =	vst v1  }
0xf5: {  	[tilespmem:s4+$0xFFFFFF90] =	vst v0  }
0xf6: {  	[tilespmem:s4+$0xFFFFFF80] =	vst v1  }
0xf7: {  	[tilespmem:s4+$0xFFFFFF70] =	vst v0  }
0xf8: {  	[tilespmem:s4+$0xFFFFFF60] =	vst v1  }
0xf9: {  	[tilespmem:s4+$0xFFFFFF50] =	vst v0  }
0xfa: {  	[tilespmem:s4+$0xFFFFFF40] =	vst v1  }
0xfb: {  	[tilespmem:s4+$0xFFFFFF30] =	vst v0  }
0xfc: {  	[tilespmem:s4+$0xFFFFFF20] =	vst v1  }
0xfd: {  	[tilespmem:s4+$0xFFFFFF10] =	vst v0  }
0xfe: {  	[tilespmem:s4+$0xFFFFFF00] =	vst v1  }
0xff: {  	[tilespmem:s4+$0xFFFFFEF0] =	vst v0  }
.Ltmp5:
0x100: {  	[tilespmem:s4+$0xFFFFFEE0] =	vst v1;
	(pc) =	sbr.rel @p1 .LBB2_8-.Ltmp5, $4  }
0x101: {  	[tilespmem:s4+$0xFFFFFED0] =	vst v0  }
0x102: {  	[tilespmem:s4+$0x1D0] =	vst v0  }
0x103: {  	[tilespmem:s4+$0x1E0] =	vst v1  }
0x104: {  	s6 =	sshra.s32 s5, $0x2;
	s5 =	sadd.s32 $0x200, s5;
	[tilespmem:s4+$0x1F0] =	vst v0  }
0x105: {  	v0 =	vld [tilespmem:s6+$0x210];
	_ =	sdelay $0x3  }
0x106: {  	s4 =	sadd.s32 $0x400, s4  }
0x107: {  	v1 =	vld [tilespmem:s6+$0x200];
	[tilespmem:s4+$0x1B0] =	vst v0  }
0x108: {  	[tilespmem:s4+$0xFFFFFEB0] =	vst v0  }
0x109: {  	[tilespmem:s4+$0xFFFFFE90] =	vst v0  }
0x10a: {  	[tilespmem:s4+$0xFFFFFE70] =	vst v0  }
0x10b: {  	[tilespmem:s4+$0xFFFFFE50] =	vst v0  }
0x10c: {  	[tilespmem:s4+$0xFFFFFEC0] =	vst v1  }
0x10d: {  	[tilespmem:s4+$0xFFFFFEA0] =	vst v1  }
0x10e: {  	[tilespmem:s4+$0xFFFFFE80] =	vst v1  }
0x10f: {  	[tilespmem:s4+$0xFFFFFE60] =	vst v1  }
0x110: {  	[tilespmem:s4+$0xFFFFFE40] =	vst v1  }
0x111: {  	[tilespmem:s4+$0xFFFFFE30] =	vst v0  }
0x112: {  	[tilespmem:s4+$0xFFFFFE20] =	vst v1  }
0x113: {  	[tilespmem:s4+$0xFFFFFE10] =	vst v0  }
0x114: {  	[tilespmem:s4+$0xFFFFFE00] =	vst v1  }
0x115: {  	[tilespmem:s4+$0x1C0] =	vst v1  }
0x116: {  	[tilespmem:s4+$0x1A0] =	vst v1  }
0x117: {  	[tilespmem:s4+$0x190] =	vst v0  }
0x118: {  	[tilespmem:s4+$0x180] =	vst v1  }
0x119: {  	[tilespmem:s4+$0x170] =	vst v0  }
0x11a: {  	[tilespmem:s4+$0x160] =	vst v1  }
0x11b: {  	[tilespmem:s4+$0x150] =	vst v0  }
0x11c: {  	[tilespmem:s4+$0x140] =	vst v1  }
0x11d: {  	[tilespmem:s4+$0x130] =	vst v0  }
0x11e: {  	[tilespmem:s4+$0x120] =	vst v1  }
0x11f: {  	[tilespmem:s4+$0x110] =	vst v0  }
0x120: {  	[tilespmem:s4+$0x100] =	vst v1  }
0x121: {  	[tilespmem:s4+$0xF0] =	vst v0  }
0x122: {  	[tilespmem:s4+$0xE0] =	vst v1  }
0x123: {  	[tilespmem:s4+$0xD0] =	vst v0  }
0x124: {  	[tilespmem:s4+$0xC0] =	vst v1  }
0x125: {  	[tilespmem:s4+$0xB0] =	vst v0  }
0x126: {  	[tilespmem:s4+$0xA0] =	vst v1  }
0x127: {  	[tilespmem:s4+$0x90] =	vst v0  }
0x128: {  	[tilespmem:s4+$0x80] =	vst v1  }
0x129: {  	[tilespmem:s4+$0x70] =	vst v0  }
0x12a: {  	[tilespmem:s4+$0x60] =	vst v1  }
0x12b: {  	[tilespmem:s4+$0x50] =	vst v0  }
0x12c: {  	[tilespmem:s4+$0x40] =	vst v1  }
0x12d: {  	[tilespmem:s4+$0x30] =	vst v0  }
0x12e: {  	[tilespmem:s4+$0x20] =	vst v1  }
0x12f: {  	[tilespmem:s4+$0x10] =	vst v0  }
0x130: {  	[tilespmem:s4+$0x0] =	vst v1  }
0x131: {  	[tilespmem:s4+$0xFFFFFFF0] =	vst v0  }
0x132: {  	[tilespmem:s4+$0xFFFFFFE0] =	vst v1  }
0x133: {  	[tilespmem:s4+$0xFFFFFFD0] =	vst v0  }
0x134: {  	[tilespmem:s4+$0xFFFFFFC0] =	vst v1  }
0x135: {  	[tilespmem:s4+$0xFFFFFFB0] =	vst v0  }
0x136: {  	[tilespmem:s4+$0xFFFFFFA0] =	vst v1  }
0x137: {  	[tilespmem:s4+$0xFFFFFF90] =	vst v0  }
0x138: {  	[tilespmem:s4+$0xFFFFFF80] =	vst v1  }
0x139: {  	[tilespmem:s4+$0xFFFFFF70] =	vst v0  }
0x13a: {  	[tilespmem:s4+$0xFFFFFF60] =	vst v1  }
0x13b: {  	[tilespmem:s4+$0xFFFFFF50] =	vst v0  }
0x13c: {  	[tilespmem:s4+$0xFFFFFF40] =	vst v1  }
0x13d: {  	[tilespmem:s4+$0xFFFFFF30] =	vst v0  }
0x13e: {  	[tilespmem:s4+$0xFFFFFF20] =	vst v1  }
0x13f: {  	[tilespmem:s4+$0xFFFFFF10] =	vst v0  }
0x140: {  	[tilespmem:s4+$0xFFFFFF00] =	vst v1  }
0x141: {  	[tilespmem:s4+$0xFFFFFEF0] =	vst v0  }
0x142: {  	[tilespmem:s4+$0xFFFFFEE0] =	vst v1  }
0x143: {  	[tilespmem:s4+$0xFFFFFED0] =	vst v0  }
0x144: {  	[tilespmem:s4+$0x1D0] =	vst v0  }
0x145: {  	[tilespmem:s4+$0x1E0] =	vst v1  }
0x146: {  	[tilespmem:s4+$0x1F0] =	vst v0  }
.LBB2_10:
.Ltmp6:
0x147: {  	(pc) =	sbr.rel @!p0 .LBB2_15-.Ltmp6, $2  }
0x148: {  	_ =	sdelay $0x2  }
0x149: {  	s2 =	sadd.s32 s7, s3  }
0x14a: {  	s3 =	simm.s32 $0x0;
	s4 =	simm.s32 $0xE0;
	s5 =	simm.s32 $0xA80  }
.LBB2_12:
0x14b: {  	s0 =	sshll.u32 s3, $0x7  }
0x14c: {  	s0 =	sand.u32 $0x3FFFFF80, s0  }
0x14d: {  	v0 =	vld [tilespmem:s0+$0x200]  }
0x14e: {  	v1 =	vld [tilespmem:s0+$0x210];
	_ =	sdelay $0x2  }
0x14f: {  	s19 =	simm.s32 $0x1  }
0x150: {  	s6 =	simm.s32 $0x0;
	p0 =	por $0x1, $0x1;
	s0 =	sand.u32 $0x9, s19  }
0x151: {  	s1 =	sand.u32 $0x8, s6;
	v3 =	vmov s0;
	v2 =	vpsel p0, v0, v1  }
0x152: {  	v4 =	vmov s1;
	v3 =	vperm.xlane v2, v3  }
0x153: {  	s20 =	simm.s32 $0x2;
	v4 =	vperm.xlane v2, v4  }
0x154: {  	s0 =	sand.u32 $0xA, s20;
	[tilespmem:s5+$0xFFFFFFA0] =	vst v3  }
0x155: {  	s21 =	sadd.s32 $0xFFFFFF40, s4;
	s22 =	simm.s32 $0x3;
	v5 =	vmov s0;
	[tilespmem:s5+$0xFFFFFF90] =	vst v4  }
0x156: {  	s1 =	sor.u32 $0x30, s21;
	s0 =	sand.u32 $0xB, s22;
	[tilespmem:s5+$0xFFFFFF80] =	vst v4;
	v4 =	vperm.xlane v2, v5  }
0x157: {  	s25 =	sadd.s32 $0xFFFFFF60, s4;
	s26 =	simm.s32 $0x4;
	[tilespmem:s1+$0xA00] =	vst v3;
	v3 =	vmov s0  }
0x158: {  	s1 =	sor.u32 $0x50, s25;
	s0 =	sand.u32 $0xC, s26;
	[tilespmem:s5+$0xFFFFFFC0] =	vst v4;
	v3 =	vperm.xlane v2, v3  }
0x159: {  	s28 =	sadd.s32 $0xFFFFFF80, s4;
	s29 =	simm.s32 $0x5;
	[tilespmem:s1+$0xA00] =	vst v4;
	v4 =	vmov s0  }
0x15a: {  	s1 =	sor.u32 $0x70, s28;
	s0 =	sand.u32 $0xD, s29;
	[tilespmem:s5+$0xFFFFFFE0] =	vst v3;
	v5 =	vperm.xlane v2, v4  }
0x15b: {  	s30 =	simm.s32 $0x6;
	[tilespmem:s1+$0xA00] =	vst v3;
	v3 =	vmov s0  }
0x15c: {  	s0 =	sand.u32 $0xE, s30;
	[tilespmem:s5+$0x0] =	vst v5;
	v4 =	vperm.xlane v2, v3  }
0x15d: {  	s31 =	sadd.s32 $0xFFFFFFC0, s4;
	s9 =	simm.s32 $0x7;
	[tilespmem:s5+$0x10] =	vst v5;
	v3 =	vmov s0  }
0x15e: {  	s7 =	smov.u32 s4;
	s8 =	smov.u32 s5;
	s10 =	sor.u32 $0x30, s31;
	v3 =	vperm.xlane v2, v3;
	[tilespmem:s5+$0x20] =	vst v4  }
.LBB2_13:
0x15f: {  	s0 =	sadd.s32 $0x9, s6  }
0x160: {  	[tilespmem:s10+$0xA00] =	vst v4;
	s1 =	sadd.s32 $0xFFFFFFE0, s7;
	v4 =	vmov s9;
	s9 =	smov.u32 s6;
	s6 =	sadd.s32 $0x8, s6  }
0x161: {  	p0 =	slt.u32 s6, $0x10;
	s0 =	sand.u32 $0x9, s0;
	[tilespmem:s8+$0x40] =	vst v3;
	s1 =	sor.u32 $0x50, s1;
	v4 =	vperm.xlane v2, v4  }
0x162: {  	s10 =	sand.u32 $0x8, s6;
	v2 =	vpsel p0, v0, v1;
	v5 =	vmov s0;
	p0 =	slt.u32 s6, $0x18;
	[tilespmem:s1+$0xA00] =	vst v3  }
0x163: {  	v3 =	vmov s10;
	s0 =	sor.u32 $0x70, s7;
	v5 =	vperm.xlane v2, v5;
	[tilespmem:s8+$0x60] =	vst v4  }
0x164: {  	s1 =	sadd.s32 $0xA, s9;
	v3 =	vperm.xlane v2, v3;
	s8 =	sadd.s32 $0x100, s8;
	[tilespmem:s0+$0xA00] =	vst v4  }
0x165: {  	s7 =	sadd.s32 $0x100, s7;
	s0 =	sand.u32 $0xA, s1;
	[tilespmem:s8+$0xFFFFFFA0] =	vst v5  }
0x166: {  	s1 =	sadd.s32 $0xFFFFFF40, s7;
	v4 =	vmov s0;
	s0 =	sadd.s32 $0xB, s9;
	[tilespmem:s8+$0xFFFFFF90] =	vst v3  }
0x167: {  	s1 =	sor.u32 $0x30, s1;
	s0 =	sand.u32 $0xB, s0;
	[tilespmem:s8+$0xFFFFFF80] =	vst v3;
	v3 =	vperm.xlane v2, v4  }
0x168: {  	v4 =	vmov s0;
	s0 =	sadd.s32 $0xC, s9;
	[tilespmem:s1+$0xA00] =	vst v5;
	s1 =	sadd.s32 $0xFFFFFF60, s7  }
0x169: {  	v4 =	vperm.xlane v2, v4;
	s0 =	sand.u32 $0xC, s0;
	[tilespmem:s8+$0xFFFFFFC0] =	vst v3;
	s1 =	sor.u32 $0x50, s1  }
0x16a: {  	[tilespmem:s1+$0xA00] =	vst v3;
	s1 =	sadd.s32 $0xFFFFFF80, s7;
	v3 =	vmov s0;
	s0 =	sadd.s32 $0xD, s9  }
.Ltmp7:
0x16b: {  	[tilespmem:s8+$0xFFFFFFE0] =	vst v4;
	s1 =	sor.u32 $0x70, s1;
	v3 =	vperm.xlane v2, v3;
	s0 =	sand.u32 $0xD, s0;
	(pc) =	sbr.rel @p0 .LBB2_13-.Ltmp7, $4  }
0x16c: {  	[tilespmem:s1+$0xA00] =	vst v4;
	v4 =	vmov s0;
	s0 =	sadd.s32 $0xE, s9  }
0x16d: {  	[tilespmem:s8+$0x0] =	vst v3;
	v4 =	vperm.xlane v2, v4;
	s0 =	sand.u32 $0xE, s0  }
0x16e: {  	s1 =	sadd.s32 $0xFFFFFFC0, s7;
	[tilespmem:s8+$0x10] =	vst v3;
	v3 =	vmov s0  }
0x16f: {  	s9 =	sadd.s32 $0xF, s9;
	s10 =	sor.u32 $0x30, s1;
	[tilespmem:s8+$0x20] =	vst v4;
	v3 =	vperm.xlane v2, v3  }
0x170: {  	s3 =	sadd.s32 $0x1, s3  }
0x171: {  	p0 =	sne.s32 s3, $0x10  }
.Ltmp8:
0x172: {  	[tilespmem:s10+$0xA00] =	vst v4;
	s0 =	sadd.s32 $0xFFFFFFE0, s7;
	v0 =	vmov s9;
	(pc) =	sbr.rel @p0 .LBB2_12-.Ltmp8, $4  }
0x173: {  	[tilespmem:s8+$0x40] =	vst v3;
	s0 =	sor.u32 $0x50, s0;
	v0 =	vperm.xlane v2, v0  }
0x174: {  	[tilespmem:s0+$0xA00] =	vst v3  }
0x175: {  	s31 =	sor.u32 $0x70, s7;
	[tilespmem:s8+$0x60] =	vst v0  }
0x176: {  	s4 =	sadd.s32 $0x400, s4;
	s5 =	sadd.s32 $0x400, s5;
	[tilespmem:s31+$0xA00] =	vst v0  }
.LBB2_15:
0x177: {  	s0 =	simm.s32 $0x0;
	s1 =	simm.s32 $0xA00;
	s31 =	simm.s32 $0x2  }
0x178: {  	[hbm4b:s2+s0] =	stream.linear.scatter [tilespmem:s1], [sflag:$0x2], $0x4000, $0x38;
	[tilespmem:$0x4A00] =	vst v63  }
0x179: {  	_ =	swait.ge [sflag:s31], $0x4000  }
0x17a: {  	[sflag:s31] =	ssyncset.done $0x0  }
0x17b: {  	[sflag:s31] =	ssyncadd.s32 $0xFFFFC000  }
0x17c: {  	_ =	sfence.sel $0x180000  }
0x17d: {  	[bflag:$0x0] =	sbarrier.arrive $0xFFFF  }
0x17e: {  	p0 =	sne.s32 s24, $0x0;
	_ =	strace $0x90000047  }
0x17f: {  	s0 =	sadd.s32 @!p0 $0x100000, s23;
	[bflag:$0x2] =	sbarrier.arrive $0xFFFF  }
0x180: {  	[sflag:s0] =	ssyncadd.tile.s32 @!p0 $0x1;
	_ =	shalt  }
.Lfunc_end2:
_tile_overlayer_lowered:
.L_overlay_start_2:
0x181: {  	(tag) =	ssettag $0x2  }
0x182: {  	s0 =	rddreg [dreg:$0x0];
	s2 =	stileid.u32  }
0x183: {  	s1 =	rddreg [dreg:$0x1];
	p0 =	sne.s32 s2, $0x0  }
0x184: {  	s3 =	rddreg [dreg:$0x2];
	[bflag:$0x3] =	sbarrier.arrive $0xFFFF;
	s2 =	simm.s32 @!p0 $0x1C02  }
0x185: {  	[timem:s3], [sflag:s2] =	dma.local @!p0 [hbm:s0], s1  }
0x186: {  	s0 =	simm.s32 @!p0 $0x2  }
0x187: {  	_ =	swait.ge @!p0 [sflag:s0], s1  }
0x188: {  	s1 =	ssub.s32 @!p0 $0x0, s1;
	[sflag:s0] =	ssyncset.done @!p0 $0x0  }
0x189: {  	[sflag:s0] =	ssyncadd.s32 @!p0 s1  }
0x18a: {  	[bflag:$0x3] =	sbarrier.arrive $0xFFFF  }
0x18b: {  	_ =	shalt  }

</sc_bundles>
